<compile_context>
chip_gen: v7x
topology: tpu7x:2x2x1
jax: 0.10.2.dev20260603
libtpu: 0.0.44.dev20260713+nightly
codegen_flags: <defaults>
</compile_context>

<pallas_src>
import functools

import jax
import jax.numpy as jnp
from jax import lax
from jax.experimental import pallas as pl
from jax.experimental.pallas import tpu as pltpu
from jax.experimental.pallas import tpu_sc as plsc

N_NODES = 10000
N_REL = 500
N_EDGES = 320000
DIM = 128
BATCH = 16384

NC = 2
NS = 16
NW = NC * NS

EDGES_PER_W = N_EDGES // NW
K_EDGE = 80
N_CHUNKS = EDGES_PER_W // K_EDGE
N_PAD = 10240
ROWS_PER_TILE = N_PAD // NS


def _sc_aggregate(table, idx_src, idx_rel, idx_dst, zeros):

  @functools.partial(
      pl.kernel,
      out_type=jax.ShapeDtypeStruct((2, N_PAD, DIM), jnp.float32),
      mesh=plsc.VectorSubcoreMesh(core_axis_name="c", subcore_axis_name="s"),
      scratch_types=[
          pltpu.VMEM((K_EDGE,), jnp.int32),
          pltpu.VMEM((K_EDGE,), jnp.int32),
          pltpu.VMEM((K_EDGE,), jnp.int32),
          pltpu.VMEM((K_EDGE, DIM), jnp.float32),
          pltpu.VMEM((K_EDGE, DIM), jnp.float32),
          pltpu.VMEM_SHARED((N_PAD, DIM), jnp.float32),
          pltpu.SemaphoreType.DMA,
      ],
  )
  def k(table_hbm, isrc_hbm, irel_hbm, idst_hbm, zeros_hbm, out_hbm,
        i1, i2, idst, rows1, rows2, acc, sem):
    cid = lax.axis_index("c")
    sid = lax.axis_index("s")
    wid = sid * NC + cid
    pltpu.sync_copy(zeros_hbm.at[pl.ds(sid * ROWS_PER_TILE, ROWS_PER_TILE)],
                    acc.at[pl.ds(sid * ROWS_PER_TILE, ROWS_PER_TILE)])
    plsc.subcore_barrier()

    base = wid * EDGES_PER_W

    def body(j, carry):
      off = base + j * K_EDGE
      pltpu.sync_copy(isrc_hbm.at[pl.ds(off, K_EDGE)], i1)
      pltpu.sync_copy(irel_hbm.at[pl.ds(off, K_EDGE)], i2)
      pltpu.sync_copy(idst_hbm.at[pl.ds(off, K_EDGE)], idst)
      cp1 = pltpu.async_copy(table_hbm.at[i1], rows1, sem)
      cp2 = pltpu.async_copy(table_hbm.at[i2], rows2, sem)
      cp1.wait()
      cp2.wait()
      pltpu.sync_copy(rows1, acc.at[idst], add=True)
      pltpu.sync_copy(rows2, acc.at[idst], add=True)
      return carry

    lax.fori_loop(0, N_CHUNKS, body, 0)
    plsc.subcore_barrier()
    pltpu.sync_copy(acc.at[pl.ds(sid * ROWS_PER_TILE, ROWS_PER_TILE)],
                    out_hbm.at[cid].at[pl.ds(sid * ROWS_PER_TILE, ROWS_PER_TILE)])

  return k(table, idx_src, idx_rel, idx_dst, zeros)


def _sc_gather(table, idx, n_rows):
  per_w = n_rows // NW
  ch = 128
  n_ch = per_w // ch

  @functools.partial(
      pl.kernel,
      out_type=jax.ShapeDtypeStruct((n_rows, DIM), jnp.float32),
      mesh=plsc.VectorSubcoreMesh(core_axis_name="c", subcore_axis_name="s"),
      scratch_types=[
          pltpu.VMEM((ch,), jnp.int32),
          pltpu.VMEM((ch, DIM), jnp.float32),
          pltpu.SemaphoreType.DMA,
      ],
  )
  def k(table_hbm, idx_hbm, out_hbm, idx_v, rows_v, sem):
    cid = lax.axis_index("c")
    sid = lax.axis_index("s")
    wid = sid * NC + cid
    base = wid * per_w

    def body(j, carry):
      off = base + j * ch
      pltpu.sync_copy(idx_hbm.at[pl.ds(off, ch)], idx_v)
      pltpu.async_copy(table_hbm.at[idx_v], rows_v, sem).wait()
      pltpu.sync_copy(rows_v, out_hbm.at[pl.ds(off, ch)])
      return carry

    lax.fori_loop(0, n_ch, body, 0)

  return k(table, idx)


def _tc_layer_dense(agg0, agg1, h, w, wl):
  blk = 1000

  def body(a0_ref, a1_ref, h_ref, w_ref, wl_ref, o_ref):
    agg = a0_ref[...] + a1_ref[...]
    o_ref[...] = jnp.tanh(
        jnp.dot(agg, w_ref[...], preferred_element_type=jnp.float32)
        + jnp.dot(h_ref[...], wl_ref[...], preferred_element_type=jnp.float32))

  return pl.pallas_call(
      body,
      grid=(N_NODES // blk,),
      in_specs=[
          pl.BlockSpec((blk, DIM), lambda i: (i, 0)),
          pl.BlockSpec((blk, DIM), lambda i: (i, 0)),
          pl.BlockSpec((blk, DIM), lambda i: (i, 0)),
          pl.BlockSpec((DIM, DIM), lambda i: (0, 0)),
          pl.BlockSpec((DIM, DIM), lambda i: (0, 0)),
      ],
      out_specs=pl.BlockSpec((blk, DIM), lambda i: (i, 0)),
      out_shape=jax.ShapeDtypeStruct((N_NODES, DIM), jnp.float32),
  )(agg0, agg1, h, w, wl)


def _tc_rel_dense(r, wr1, wr2):
  def body(r_ref, w1_ref, w2_ref, o1_ref, o2_ref):
    r1 = jnp.dot(r_ref[...], w1_ref[...], preferred_element_type=jnp.float32)
    o1_ref[...] = r1
    o2_ref[...] = jnp.dot(r1, w2_ref[...], preferred_element_type=jnp.float32)

  return pl.pallas_call(
      body,
      out_shape=[
          jax.ShapeDtypeStruct((N_REL, DIM), jnp.float32),
          jax.ShapeDtypeStruct((N_REL, DIM), jnp.float32),
      ],
  )(r, wr1, wr2)


def _tc_score(he, te, re):
  blk = 2048
  d = DIM // 2

  def body(h_ref, t_ref, r_ref, o_ref):
    hv = h_ref[...]
    tv = t_ref[...]
    rv = r_ref[...]
    hr, hi = hv[:, :d], hv[:, d:]
    tr, ti = tv[:, :d], tv[:, d:]
    rr, ri = rv[:, :d], rv[:, d:]
    o_ref[...] = jnp.sum(tr * (hr * rr - hi * ri) + ti * (hr * ri + hi * rr),
                         axis=1)

  return pl.pallas_call(
      body,
      grid=(BATCH // blk,),
      in_specs=[
          pl.BlockSpec((blk, DIM), lambda i: (i, 0)),
          pl.BlockSpec((blk, DIM), lambda i: (i, 0)),
          pl.BlockSpec((blk, DIM), lambda i: (i, 0)),
      ],
      out_specs=pl.BlockSpec((blk,), lambda i: (i,)),
      out_shape=jax.ShapeDtypeStruct((BATCH,), jnp.float32),
  )(he, te, re)


def kernel(edge_index, edge_type, head_idx, tail_idx, rel_idx,
           node_embed, rel_embed, W1, Wl1, Wr1, W2, Wl2, Wr2):
  src = edge_index[0].astype(jnp.int32)
  dst = edge_index[1].astype(jnp.int32)
  irel = edge_type.astype(jnp.int32) + N_NODES
  zeros = jnp.zeros((N_PAD, DIM), jnp.float32)

  h0 = node_embed
  r0 = rel_embed

  r1, r2 = _tc_rel_dense(r0, Wr1, Wr2)

  t1 = jnp.concatenate([h0, -r0], axis=0)
  agg1 = _sc_aggregate(t1, src, irel, dst, zeros)
  h1 = _tc_layer_dense(agg1[0, :N_NODES], agg1[1, :N_NODES], h0, W1, Wl1)

  t2 = jnp.concatenate([h1, -r1], axis=0)
  agg2 = _sc_aggregate(t2, src, irel, dst, zeros)
  h2 = _tc_layer_dense(agg2[0, :N_NODES], agg2[1, :N_NODES], h1, W2, Wl2)

  td = jnp.concatenate([h2, r2], axis=0)
  gidx = jnp.concatenate([
      head_idx.astype(jnp.int32),
      tail_idx.astype(jnp.int32),
      rel_idx.astype(jnp.int32) + N_NODES,
  ])
  rows = _sc_gather(td, gidx, 3 * BATCH)
  he = rows[:BATCH]
  te = rows[BATCH:2 * BATCH]
  re = rows[2 * BATCH:]
  return _tc_score(he, te, re)

# --- scband reference (transcript-rebuilt; emitter-appended) ---
"""Pipeline reference for scband-comp-gcnkgmodel-dgl-40458591929162 (READ-ONLY COPY).

The authoritative reference and input builder live on the scoring server;
editing this copy changes nothing except your own understanding.
"""

import jax, jax.numpy as jnp
import numpy as np

N_NODES = 10000
N_REL = 500
N_EDGES = 320000
DIM = 128
BATCH = 16384


def setup_inputs(seed: int = 0) -> dict:
    key = jax.random.key(seed)
    ks = jax.random.split(key, 16)
    edge_index = jax.random.randint(ks[0], (2, N_EDGES), 0, N_NODES, dtype=jnp.int64)
    edge_type = jax.random.randint(ks[1], (N_EDGES,), 0, N_REL, dtype=jnp.int64)
    head_idx = jax.random.randint(ks[2], (BATCH,), 0, N_NODES, dtype=jnp.int64)
    tail_idx = jax.random.randint(ks[3], (BATCH,), 0, N_NODES, dtype=jnp.int64)
    rel_idx = jax.random.randint(ks[4], (BATCH,), 0, N_REL, dtype=jnp.int64)
    node_embed = jax.random.normal(ks[5], (N_NODES, DIM), dtype=jnp.float32) * 0.05
    rel_embed = jax.random.normal(ks[6], (N_REL, DIM), dtype=jnp.float32) * 0.05
    s = 1.0 / np.sqrt(DIM)
    W1 = jax.random.normal(ks[7], (DIM, DIM), dtype=jnp.float32) * s
    Wl1 = jax.random.normal(ks[8], (DIM, DIM), dtype=jnp.float32) * s
    Wr1 = jax.random.normal(ks[9], (DIM, DIM), dtype=jnp.float32) * s
    W2 = jax.random.normal(ks[10], (DIM, DIM), dtype=jnp.float32) * s
    Wl2 = jax.random.normal(ks[11], (DIM, DIM), dtype=jnp.float32) * s
    Wr2 = jax.random.normal(ks[12], (DIM, DIM), dtype=jnp.float32) * s
    return {
        'edge_index': edge_index,
        'edge_type': edge_type,
        'head_idx': head_idx,
        'tail_idx': tail_idx,
        'rel_idx': rel_idx,
        'node_embed': node_embed,
        'rel_embed': rel_embed,
        'W1': W1, 'Wl1': Wl1, 'Wr1': Wr1,
        'W2': W2, 'Wl2': Wl2, 'Wr2': Wr2,
    }


def _compgcn_layer(h, r, src, dst, etype, W, Wl, Wr, n_nodes):
    # composition 'sub': msg = h[src] - r[etype]
    msg = jnp.take(h, src, axis=0) - jnp.take(r, etype, axis=0)
    agg = jax.ops.segment_sum(msg, dst, num_segments=n_nodes)
    h_new = jnp.tanh(agg @ W + h @ Wl)
    r_new = r @ Wr
    return h_new, r_new


def reference(edge_index, edge_type, head_idx, tail_idx, rel_idx,
              node_embed, rel_embed, W1, Wl1, Wr1, W2, Wl2, Wr2):
    n_nodes = node_embed.shape[0]
    src = edge_index[0]
    dst = edge_index[1]
    h, r = node_embed, rel_embed
    h, r = _compgcn_layer(h, r, src, dst, edge_type, W1, Wl1, Wr1, n_nodes)
    h, r = _compgcn_layer(h, r, src, dst, edge_type, W2, Wl2, Wr2, n_nodes)
    # ComplEx decoder
    d = h.shape[1] // 2
    he = jnp.take(h, head_idx, axis=0)
    te = jnp.take(h, tail_idx, axis=0)
    re_b = jnp.take(r, rel_idx, axis=0)
    h_re, h_im = he[:, :d], he[:, d:]
    r_re, r_im = re_b[:, :d], re_b[:, d:]
    t_re, t_im = te[:, :d], te[:, d:]
    scores = jnp.sum(h_re * r_re * t_re + h_re * r_im * t_im
                     + h_im * r_re * t_im - h_im * r_im * t_re, axis=1)
    return scores

if __name__ == "__main__":
    import jax
    _d = setup_inputs()
    print(jax.jit(kernel)(*tuple(_d.values())))

</pallas_src>

<mosaic_0001>
#map = affine_map<(d0, d1) -> (0, 0)>
#map1 = affine_map<(d0, d1) -> (0)>
module attributes {stable_mosaic.version = 14 : i64} {
  func.func @k(%arg0: i32, %arg1: i32, %arg2: memref<10500x128xf32, #tpu.memory_space<hbm>>, %arg3: memref<49152xi32, #tpu.memory_space<hbm>>, %arg4: memref<49152x128xf32, #tpu.memory_space<hbm>>, %arg5: memref<128xi32, #tpu.memory_space<vmem>>, %arg6: memref<128x128xf32, #tpu.memory_space<vmem>>, %arg7: memref<!tpu.dma_semaphore, #tpu.memory_space<semaphore_mem>>) attributes {dimension_semantics = [#tpu.dimension_semantics<core_parallel>, #tpu.dimension_semantics<subcore_parallel>], iteration_bounds = array<i64: 2, 16>, scalar_prefetch = 0 : i64, scratch_operands = 3 : i64, tpu.core_type = #tpu.core_type<sc_vector_subcore>, window_params = [{transform_indices = #map}, {transform_indices = #map1}, {transform_indices = #map}]} {
    %mul3A = arith.constant 2 : i32
    %mul3A_0 = arith.muli %arg1, %mul3A : i32
    %add3A = arith.addi %mul3A_0, %arg0 : i32
    %mul3A_1 = arith.constant 1536 : i32
    %mul3A_2 = arith.muli %add3A, %mul3A_1 : i32
    %scan3A = arith.constant 0 : i32
    %scan3A_3 = arith.constant 0 : i32
    %scan3A_4 = arith.constant 12 : i32
    %scan3A_5 = arith.addi %scan3A_3, %scan3A_4 : i32
    %scan3A_6 = arith.constant 1 : i32
    scf.for %scan3A_8 = %scan3A_3 to %scan3A_5 step %scan3A_6  : i32 {
      %mul3A_9 = arith.constant 128 : i32
      %mul3A_10 = arith.muli %scan3A_8, %mul3A_9 : i32
      %add3A_11 = arith.addi %mul3A_2, %mul3A_10 : i32
      "tpu.region"() ({
        %run_scoped3A = tpu.sem_alloc : memref<!tpu.dma_semaphore, #tpu.memory_space<semaphore_mem>>
        %dma_start3A_16 = tpu.memref_slice %arg3[%add3A_11] : memref<49152xi32, #tpu.memory_space<hbm>> -> memref<128xi32, #tpu.memory_space<hbm>>
        %dma_start3A_17 = tpu.memref_slice %arg3[%add3A_11] : memref<49152xi32, #tpu.memory_space<hbm>> -> memref<128xi32, #tpu.memory_space<hbm>>
        tpu.enqueue_dma source(%dma_start3A_17 : memref<128xi32, #tpu.memory_space<hbm>>) target(%arg5 : memref<128xi32, #tpu.memory_space<vmem>>) target_semaphore(%run_scoped3A : memref<!tpu.dma_semaphore, #tpu.memory_space<semaphore_mem>>)
        %dma_wait3A_18 = tpu.memref_slice %arg3[%add3A_11] : memref<49152xi32, #tpu.memory_space<hbm>> -> memref<128xi32, #tpu.memory_space<hbm>>
        %dma_wait3A_19 = tpu.memref_slice %arg3[%add3A_11] : memref<49152xi32, #tpu.memory_space<hbm>> -> memref<128xi32, #tpu.memory_space<hbm>>
        tpu.wait_dma2 semaphore(%run_scoped3A : memref<!tpu.dma_semaphore, #tpu.memory_space<semaphore_mem>>) src(%dma_wait3A_19 : memref<128xi32, #tpu.memory_space<hbm>>) dst(%arg5 : memref<128xi32, #tpu.memory_space<vmem>>)
        tpu.yield
      }) : () -> ()
      %dma_start3A = arith.constant 0 : i32
      %dma_start3A_12 = arith.constant 0 : i32
      %dma_start3A_13 = tpu.memref_slice %arg2[%dma_start3A, %dma_start3A_12] : memref<10500x128xf32, #tpu.memory_space<hbm>> -> memref<10500x128xf32, #tpu.memory_space<hbm>>
      tpu.enqueue_indirect_dma source(%dma_start3A_13 : memref<10500x128xf32, #tpu.memory_space<hbm>>) target(%arg6 : memref<128x128xf32, #tpu.memory_space<vmem>>) offsets(%arg5 : memref<128xi32, #tpu.memory_space<vmem>>) semaphore(%arg7 : memref<!tpu.dma_semaphore, #tpu.memory_space<semaphore_mem>>)
      %dma_wait3A = arith.constant 0 : i32
      %dma_wait3A_14 = arith.constant 0 : i32
      %dma_wait3A_15 = tpu.memref_slice %arg2[%dma_wait3A, %dma_wait3A_14] : memref<10500x128xf32, #tpu.memory_space<hbm>> -> memref<10500x128xf32, #tpu.memory_space<hbm>>
      tpu.wait_indirect_dma semaphore(%arg7 : memref<!tpu.dma_semaphore, #tpu.memory_space<semaphore_mem>>) src(%dma_wait3A_15 : memref<10500x128xf32, #tpu.memory_space<hbm>>) dst(%arg6 : memref<128x128xf32, #tpu.memory_space<vmem>>)
      "tpu.region"() ({
        %run_scoped3A = tpu.sem_alloc : memref<!tpu.dma_semaphore, #tpu.memory_space<semaphore_mem>>
        %dma_start3A_16 = arith.constant 0 : i32
        %dma_start3A_17 = tpu.memref_slice %arg4[%add3A_11, %dma_start3A_16] : memref<49152x128xf32, #tpu.memory_space<hbm>> -> memref<128x128xf32, #tpu.memory_space<hbm>>
        %dma_start3A_18 = arith.constant 0 : i32
        %dma_start3A_19 = tpu.memref_slice %arg4[%add3A_11, %dma_start3A_18] : memref<49152x128xf32, #tpu.memory_space<hbm>> -> memref<128x128xf32, #tpu.memory_space<hbm>>
        tpu.enqueue_dma source(%arg6 : memref<128x128xf32, #tpu.memory_space<vmem>>) target(%dma_start3A_19 : memref<128x128xf32, #tpu.memory_space<hbm>>) target_semaphore(%run_scoped3A : memref<!tpu.dma_semaphore, #tpu.memory_space<semaphore_mem>>)
        %dma_wait3A_20 = arith.constant 0 : i32
        %dma_wait3A_21 = tpu.memref_slice %arg4[%add3A_11, %dma_wait3A_20] : memref<49152x128xf32, #tpu.memory_space<hbm>> -> memref<128x128xf32, #tpu.memory_space<hbm>>
        %dma_wait3A_22 = arith.constant 0 : i32
        %dma_wait3A_23 = tpu.memref_slice %arg4[%add3A_11, %dma_wait3A_22] : memref<49152x128xf32, #tpu.memory_space<hbm>> -> memref<128x128xf32, #tpu.memory_space<hbm>>
        tpu.wait_dma2 semaphore(%run_scoped3A : memref<!tpu.dma_semaphore, #tpu.memory_space<semaphore_mem>>) src(%arg6 : memref<128x128xf32, #tpu.memory_space<vmem>>) dst(%dma_wait3A_23 : memref<128x128xf32, #tpu.memory_space<hbm>>)
        tpu.yield
      }) : () -> ()
    }
    %scan3A_7 = arith.constant 12 : i32
    return
  }
}

#map = affine_map<(d0, d1) -> (0, 0)>
#map1 = affine_map<(d0, d1) -> (0)>
#map2 = affine_map<(d0, d1) -> (0, 0, 0)>
module attributes {stable_mosaic.version = 14 : i64} {
  func.func @k(%arg0: i32, %arg1: i32, %arg2: memref<10500x128xf32, #tpu.memory_space<hbm>>, %arg3: memref<320000xi32, #tpu.memory_space<hbm>>, %arg4: memref<320000xi32, #tpu.memory_space<hbm>>, %arg5: memref<320000xi32, #tpu.memory_space<hbm>>, %arg6: memref<10240x128xf32, #tpu.memory_space<hbm>>, %arg7: memref<2x10240x128xf32, #tpu.memory_space<hbm>>, %arg8: memref<80xi32, #tpu.memory_space<vmem>>, %arg9: memref<80xi32, #tpu.memory_space<vmem>>, %arg10: memref<80xi32, #tpu.memory_space<vmem>>, %arg11: memref<80x128xf32, #tpu.memory_space<vmem>>, %arg12: memref<80x128xf32, #tpu.memory_space<vmem>>, %arg13: memref<10240x128xf32, #tpu.memory_space<vmem_shared>>, %arg14: memref<!tpu.dma_semaphore, #tpu.memory_space<semaphore_mem>>) attributes {dimension_semantics = [#tpu.dimension_semantics<core_parallel>, #tpu.dimension_semantics<subcore_parallel>], iteration_bounds = array<i64: 2, 16>, scalar_prefetch = 0 : i64, scratch_operands = 7 : i64, tpu.core_type = #tpu.core_type<sc_vector_subcore>, window_params = [{transform_indices = #map}, {transform_indices = #map1}, {transform_indices = #map1}, {transform_indices = #map1}, {transform_indices = #map}, {transform_indices = #map2}]} {
    %mul3A = arith.constant 2 : i32
    %mul3A_0 = arith.muli %arg1, %mul3A : i32
    %add3A = arith.addi %mul3A_0, %arg0 : i32
    %mul3A_1 = arith.constant 640 : i32
    %mul3A_2 = arith.muli %arg1, %mul3A_1 : i32
    %mul3A_3 = arith.constant 640 : i32
    %mul3A_4 = arith.muli %arg1, %mul3A_3 : i32
    "tpu.region"() ({
      %run_scoped3A = tpu.sem_alloc : memref<!tpu.dma_semaphore, #tpu.memory_space<semaphore_mem>>
      %dma_start3A = arith.constant 0 : i32
      %dma_start3A_17 = tpu.memref_slice %arg13[%mul3A_4, %dma_start3A] : memref<10240x128xf32, #tpu.memory_space<vmem_shared>> -> memref<640x128xf32, #tpu.memory_space<vmem_shared>>
      %dma_start3A_18 = arith.constant 0 : i32
      %dma_start3A_19 = tpu.memref_slice %arg6[%mul3A_2, %dma_start3A_18] : memref<10240x128xf32, #tpu.memory_space<hbm>> -> memref<640x128xf32, #tpu.memory_space<hbm>>
      tpu.enqueue_dma source(%dma_start3A_19 : memref<640x128xf32, #tpu.memory_space<hbm>>) target(%dma_start3A_17 : memref<640x128xf32, #tpu.memory_space<vmem_shared>>) target_semaphore(%run_scoped3A : memref<!tpu.dma_semaphore, #tpu.memory_space<semaphore_mem>>)
      %dma_wait3A = arith.constant 0 : i32
      %dma_wait3A_20 = tpu.memref_slice %arg13[%mul3A_4, %dma_wait3A] : memref<10240x128xf32, #tpu.memory_space<vmem_shared>> -> memref<640x128xf32, #tpu.memory_space<vmem_shared>>
      %dma_wait3A_21 = arith.constant 0 : i32
      %dma_wait3A_22 = tpu.memref_slice %arg6[%mul3A_2, %dma_wait3A_21] : memref<10240x128xf32, #tpu.memory_space<hbm>> -> memref<640x128xf32, #tpu.memory_space<hbm>>
      tpu.wait_dma2 semaphore(%run_scoped3A : memref<!tpu.dma_semaphore, #tpu.memory_space<semaphore_mem>>) src(%dma_wait3A_22 : memref<640x128xf32, #tpu.memory_space<hbm>>) dst(%dma_wait3A_20 : memref<640x128xf32, #tpu.memory_space<vmem_shared>>)
      tpu.yield
    }) : () -> ()
    %barrier3A = arith.constant 0 : index
    tpu.barrier barrier_id(%barrier3A)
    %mul3A_5 = arith.constant 10000 : i32
    %mul3A_6 = arith.muli %add3A, %mul3A_5 : i32
    %scan3A = arith.constant 0 : i32
    %scan3A_7 = arith.constant 0 : i32
    %scan3A_8 = arith.constant 125 : i32
    %scan3A_9 = arith.addi %scan3A_7, %scan3A_8 : i32
    %scan3A_10 = arith.constant 1 : i32
    scf.for %scan3A_17 = %scan3A_7 to %scan3A_9 step %scan3A_10  : i32 {
      %mul3A_18 = arith.constant 80 : i32
      %mul3A_19 = arith.muli %scan3A_17, %mul3A_18 : i32
      %add3A_20 = arith.addi %mul3A_6, %mul3A_19 : i32
      "tpu.region"() ({
        %run_scoped3A = tpu.sem_alloc : memref<!tpu.dma_semaphore, #tpu.memory_space<semaphore_mem>>
        %dma_start3A_31 = tpu.memref_slice %arg3[%add3A_20] : memref<320000xi32, #tpu.memory_space<hbm>> -> memref<80xi32, #tpu.memory_space<hbm>>
        %dma_start3A_32 = tpu.memref_slice %arg3[%add3A_20] : memref<320000xi32, #tpu.memory_space<hbm>> -> memref<80xi32, #tpu.memory_space<hbm>>
        tpu.enqueue_dma source(%dma_start3A_32 : memref<80xi32, #tpu.memory_space<hbm>>) target(%arg8 : memref<80xi32, #tpu.memory_space<vmem>>) target_semaphore(%run_scoped3A : memref<!tpu.dma_semaphore, #tpu.memory_space<semaphore_mem>>)
        %dma_wait3A_33 = tpu.memref_slice %arg3[%add3A_20] : memref<320000xi32, #tpu.memory_space<hbm>> -> memref<80xi32, #tpu.memory_space<hbm>>
        %dma_wait3A_34 = tpu.memref_slice %arg3[%add3A_20] : memref<320000xi32, #tpu.memory_space<hbm>> -> memref<80xi32, #tpu.memory_space<hbm>>
        tpu.wait_dma2 semaphore(%run_scoped3A : memref<!tpu.dma_semaphore, #tpu.memory_space<semaphore_mem>>) src(%dma_wait3A_34 : memref<80xi32, #tpu.memory_space<hbm>>) dst(%arg8 : memref<80xi32, #tpu.memory_space<vmem>>)
        tpu.yield
      }) : () -> ()
      "tpu.region"() ({
        %run_scoped3A = tpu.sem_alloc : memref<!tpu.dma_semaphore, #tpu.memory_space<semaphore_mem>>
        %dma_start3A_31 = tpu.memref_slice %arg4[%add3A_20] : memref<320000xi32, #tpu.memory_space<hbm>> -> memref<80xi32, #tpu.memory_space<hbm>>
        %dma_start3A_32 = tpu.memref_slice %arg4[%add3A_20] : memref<320000xi32, #tpu.memory_space<hbm>> -> memref<80xi32, #tpu.memory_space<hbm>>
        tpu.enqueue_dma source(%dma_start3A_32 : memref<80xi32, #tpu.memory_space<hbm>>) target(%arg9 : memref<80xi32, #tpu.memory_space<vmem>>) target_semaphore(%run_scoped3A : memref<!tpu.dma_semaphore, #tpu.memory_space<semaphore_mem>>)
        %dma_wait3A_33 = tpu.memref_slice %arg4[%add3A_20] : memref<320000xi32, #tpu.memory_space<hbm>> -> memref<80xi32, #tpu.memory_space<hbm>>
        %dma_wait3A_34 = tpu.memref_slice %arg4[%add3A_20] : memref<320000xi32, #tpu.memory_space<hbm>> -> memref<80xi32, #tpu.memory_space<hbm>>
        tpu.wait_dma2 semaphore(%run_scoped3A : memref<!tpu.dma_semaphore, #tpu.memory_space<semaphore_mem>>) src(%dma_wait3A_34 : memref<80xi32, #tpu.memory_space<hbm>>) dst(%arg9 : memref<80xi32, #tpu.memory_space<vmem>>)
        tpu.yield
      }) : () -> ()
      "tpu.region"() ({
        %run_scoped3A = tpu.sem_alloc : memref<!tpu.dma_semaphore, #tpu.memory_space<semaphore_mem>>
        %dma_start3A_31 = tpu.memref_slice %arg5[%add3A_20] : memref<320000xi32, #tpu.memory_space<hbm>> -> memref<80xi32, #tpu.memory_space<hbm>>
        %dma_start3A_32 = tpu.memref_slice %arg5[%add3A_20] : memref<320000xi32, #tpu.memory_space<hbm>> -> memref<80xi32, #tpu.memory_space<hbm>>
        tpu.enqueue_dma source(%dma_start3A_32 : memref<80xi32, #tpu.memory_space<hbm>>) target(%arg10 : memref<80xi32, #tpu.memory_space<vmem>>) target_semaphore(%run_scoped3A : memref<!tpu.dma_semaphore, #tpu.memory_space<semaphore_mem>>)
        %dma_wait3A_33 = tpu.memref_slice %arg5[%add3A_20] : memref<320000xi32, #tpu.memory_space<hbm>> -> memref<80xi32, #tpu.memory_space<hbm>>
        %dma_wait3A_34 = tpu.memref_slice %arg5[%add3A_20] : memref<320000xi32, #tpu.memory_space<hbm>> -> memref<80xi32, #tpu.memory_space<hbm>>
        tpu.wait_dma2 semaphore(%run_scoped3A : memref<!tpu.dma_semaphore, #tpu.memory_space<semaphore_mem>>) src(%dma_wait3A_34 : memref<80xi32, #tpu.memory_space<hbm>>) dst(%arg10 : memref<80xi32, #tpu.memory_space<vmem>>)
        tpu.yield
      }) : () -> ()
      %dma_start3A = arith.constant 0 : i32
      %dma_start3A_21 = arith.constant 0 : i32
      %dma_start3A_22 = tpu.memref_slice %arg2[%dma_start3A, %dma_start3A_21] : memref<10500x128xf32, #tpu.memory_space<hbm>> -> memref<10500x128xf32, #tpu.memory_space<hbm>>
      tpu.enqueue_indirect_dma source(%dma_start3A_22 : memref<10500x128xf32, #tpu.memory_space<hbm>>) target(%arg11 : memref<80x128xf32, #tpu.memory_space<vmem>>) offsets(%arg8 : memref<80xi32, #tpu.memory_space<vmem>>) semaphore(%arg14 : memref<!tpu.dma_semaphore, #tpu.memory_space<semaphore_mem>>)
      %dma_start3A_23 = arith.constant 0 : i32
      %dma_start3A_24 = arith.constant 0 : i32
      %dma_start3A_25 = tpu.memref_slice %arg2[%dma_start3A_23, %dma_start3A_24] : memref<10500x128xf32, #tpu.memory_space<hbm>> -> memref<10500x128xf32, #tpu.memory_space<hbm>>
      tpu.enqueue_indirect_dma source(%dma_start3A_25 : memref<10500x128xf32, #tpu.memory_space<hbm>>) target(%arg12 : memref<80x128xf32, #tpu.memory_space<vmem>>) offsets(%arg9 : memref<80xi32, #tpu.memory_space<vmem>>) semaphore(%arg14 : memref<!tpu.dma_semaphore, #tpu.memory_space<semaphore_mem>>)
      %dma_wait3A = arith.constant 0 : i32
      %dma_wait3A_26 = arith.constant 0 : i32
      %dma_wait3A_27 = tpu.memref_slice %arg2[%dma_wait3A, %dma_wait3A_26] : memref<10500x128xf32, #tpu.memory_space<hbm>> -> memref<10500x128xf32, #tpu.memory_space<hbm>>
      tpu.wait_indirect_dma semaphore(%arg14 : memref<!tpu.dma_semaphore, #tpu.memory_space<semaphore_mem>>) src(%dma_wait3A_27 : memref<10500x128xf32, #tpu.memory_space<hbm>>) dst(%arg11 : memref<80x128xf32, #tpu.memory_space<vmem>>)
      %dma_wait3A_28 = arith.constant 0 : i32
      %dma_wait3A_29 = arith.constant 0 : i32
      %dma_wait3A_30 = tpu.memref_slice %arg2[%dma_wait3A_28, %dma_wait3A_29] : memref<10500x128xf32, #tpu.memory_space<hbm>> -> memref<10500x128xf32, #tpu.memory_space<hbm>>
      tpu.wait_indirect_dma semaphore(%arg14 : memref<!tpu.dma_semaphore, #tpu.memory_space<semaphore_mem>>) src(%dma_wait3A_30 : memref<10500x128xf32, #tpu.memory_space<hbm>>) dst(%arg12 : memref<80x128xf32, #tpu.memory_space<vmem>>)
      "tpu.region"() ({
        %run_scoped3A = tpu.sem_alloc : memref<!tpu.dma_semaphore, #tpu.memory_space<semaphore_mem>>
        %dma_start3A_31 = arith.constant 0 : i32
        %dma_start3A_32 = arith.constant 0 : i32
        %dma_start3A_33 = tpu.memref_slice %arg13[%dma_start3A_31, %dma_start3A_32] : memref<10240x128xf32, #tpu.memory_space<vmem_shared>> -> memref<10240x128xf32, #tpu.memory_space<vmem_shared>>
        tpu.enqueue_indirect_dma source(%arg11 : memref<80x128xf32, #tpu.memory_space<vmem>>) target(%dma_start3A_33 : memref<10240x128xf32, #tpu.memory_space<vmem_shared>>) offsets(%arg10 : memref<80xi32, #tpu.memory_space<vmem>>) semaphore(%run_scoped3A : memref<!tpu.dma_semaphore, #tpu.memory_space<semaphore_mem>>) {add = true}
        %dma_wait3A_34 = arith.constant 0 : i32
        %dma_wait3A_35 = arith.constant 0 : i32
        %dma_wait3A_36 = tpu.memref_slice %arg13[%dma_wait3A_34, %dma_wait3A_35] : memref<10240x128xf32, #tpu.memory_space<vmem_shared>> -> memref<10240x128xf32, #tpu.memory_space<vmem_shared>>
        tpu.wait_indirect_dma semaphore(%run_scoped3A : memref<!tpu.dma_semaphore, #tpu.memory_space<semaphore_mem>>) src(%arg11 : memref<80x128xf32, #tpu.memory_space<vmem>>) dst(%dma_wait3A_36 : memref<10240x128xf32, #tpu.memory_space<vmem_shared>>)
        tpu.yield
      }) : () -> ()
      "tpu.region"() ({
        %run_scoped3A = tpu.sem_alloc : memref<!tpu.dma_semaphore, #tpu.memory_space<semaphore_mem>>
        %dma_start3A_31 = arith.constant 0 : i32
        %dma_start3A_32 = arith.constant 0 : i32
        %dma_start3A_33 = tpu.memref_slice %arg13[%dma_start3A_31, %dma_start3A_32] : memref<10240x128xf32, #tpu.memory_space<vmem_shared>> -> memref<10240x128xf32, #tpu.memory_space<vmem_shared>>
        tpu.enqueue_indirect_dma source(%arg12 : memref<80x128xf32, #tpu.memory_space<vmem>>) target(%dma_start3A_33 : memref<10240x128xf32, #tpu.memory_space<vmem_shared>>) offsets(%arg10 : memref<80xi32, #tpu.memory_space<vmem>>) semaphore(%run_scoped3A : memref<!tpu.dma_semaphore, #tpu.memory_space<semaphore_mem>>) {add = true}
        %dma_wait3A_34 = arith.constant 0 : i32
        %dma_wait3A_35 = arith.constant 0 : i32
        %dma_wait3A_36 = tpu.memref_slice %arg13[%dma_wait3A_34, %dma_wait3A_35] : memref<10240x128xf32, #tpu.memory_space<vmem_shared>> -> memref<10240x128xf32, #tpu.memory_space<vmem_shared>>
        tpu.wait_indirect_dma semaphore(%run_scoped3A : memref<!tpu.dma_semaphore, #tpu.memory_space<semaphore_mem>>) src(%arg12 : memref<80x128xf32, #tpu.memory_space<vmem>>) dst(%dma_wait3A_36 : memref<10240x128xf32, #tpu.memory_space<vmem_shared>>)
        tpu.yield
      }) : () -> ()
    }
    %scan3A_11 = arith.constant 125 : i32
    %barrier3A_12 = arith.constant 0 : index
    tpu.barrier barrier_id(%barrier3A_12)
    %mul3A_13 = arith.constant 640 : i32
    %mul3A_14 = arith.muli %arg1, %mul3A_13 : i32
    %mul3A_15 = arith.constant 640 : i32
    %mul3A_16 = arith.muli %arg1, %mul3A_15 : i32
    "tpu.region"() ({
      %run_scoped3A = tpu.sem_alloc : memref<!tpu.dma_semaphore, #tpu.memory_space<semaphore_mem>>
      %dma_start3A = arith.constant 0 : i32
      %dma_start3A_17 = arith.constant 0 : i32
      %dma_start3A_18 = tpu.memref_slice %arg7[%arg0, %dma_start3A, %dma_start3A_17] : memref<2x10240x128xf32, #tpu.memory_space<hbm>> -> memref<1x10240x128xf32, #tpu.memory_space<hbm>>
      %dma_start3A_19 = tpu.memref_squeeze %dma_start3A_18 : memref<1x10240x128xf32, #tpu.memory_space<hbm>> -> memref<10240x128xf32, #tpu.memory_space<hbm>>
      %dma_start3A_20 = arith.constant 0 : i32
      %dma_start3A_21 = tpu.memref_slice %dma_start3A_19[%mul3A_16, %dma_start3A_20] : memref<10240x128xf32, #tpu.memory_space<hbm>> -> memref<640x128xf32, #tpu.memory_space<hbm>>
      %dma_start3A_22 = arith.constant 0 : i32
      %dma_start3A_23 = tpu.memref_slice %arg13[%mul3A_14, %dma_start3A_22] : memref<10240x128xf32, #tpu.memory_space<vmem_shared>> -> memref<640x128xf32, #tpu.memory_space<vmem_shared>>
      tpu.enqueue_dma source(%dma_start3A_23 : memref<640x128xf32, #tpu.memory_space<vmem_shared>>) target(%dma_start3A_21 : memref<640x128xf32, #tpu.memory_space<hbm>>) target_semaphore(%run_scoped3A : memref<!tpu.dma_semaphore, #tpu.memory_space<semaphore_mem>>)
      %dma_wait3A = arith.constant 0 : i32
      %dma_wait3A_24 = arith.constant 0 : i32
      %dma_wait3A_25 = tpu.memref_slice %arg7[%arg0, %dma_wait3A, %dma_wait3A_24] : memref<2x10240x128xf32, #tpu.memory_space<hbm>> -> memref<1x10240x128xf32, #tpu.memory_space<hbm>>
      %dma_wait3A_26 = tpu.memref_squeeze %dma_wait3A_25 : memref<1x10240x128xf32, #tpu.memory_space<hbm>> -> memref<10240x128xf32, #tpu.memory_space<hbm>>
      %dma_wait3A_27 = arith.constant 0 : i32
      %dma_wait3A_28 = tpu.memref_slice %dma_wait3A_26[%mul3A_16, %dma_wait3A_27] : memref<10240x128xf32, #tpu.memory_space<hbm>> -> memref<640x128xf32, #tpu.memory_space<hbm>>
      %dma_wait3A_29 = arith.constant 0 : i32
      %dma_wait3A_30 = tpu.memref_slice %arg13[%mul3A_14, %dma_wait3A_29] : memref<10240x128xf32, #tpu.memory_space<vmem_shared>> -> memref<640x128xf32, #tpu.memory_space<vmem_shared>>
      tpu.wait_dma2 semaphore(%run_scoped3A : memref<!tpu.dma_semaphore, #tpu.memory_space<semaphore_mem>>) src(%dma_wait3A_30 : memref<640x128xf32, #tpu.memory_space<vmem_shared>>) dst(%dma_wait3A_28 : memref<640x128xf32, #tpu.memory_space<hbm>>)
      tpu.yield
    }) : () -> ()
    return
  }
}

#map = affine_map<(d0, d1) -> (0, 0)>
#map1 = affine_map<(d0, d1) -> (0)>
#map2 = affine_map<(d0, d1) -> (0, 0, 0)>
module attributes {stable_mosaic.version = 14 : i64} {
  func.func @k(%arg0: i32, %arg1: i32, %arg2: memref<10500x128xf32, #tpu.memory_space<hbm>>, %arg3: memref<320000xi32, #tpu.memory_space<hbm>>, %arg4: memref<320000xi32, #tpu.memory_space<hbm>>, %arg5: memref<320000xi32, #tpu.memory_space<hbm>>, %arg6: memref<10240x128xf32, #tpu.memory_space<hbm>>, %arg7: memref<2x10240x128xf32, #tpu.memory_space<hbm>>, %arg8: memref<80xi32, #tpu.memory_space<vmem>>, %arg9: memref<80xi32, #tpu.memory_space<vmem>>, %arg10: memref<80xi32, #tpu.memory_space<vmem>>, %arg11: memref<80x128xf32, #tpu.memory_space<vmem>>, %arg12: memref<80x128xf32, #tpu.memory_space<vmem>>, %arg13: memref<10240x128xf32, #tpu.memory_space<vmem_shared>>, %arg14: memref<!tpu.dma_semaphore, #tpu.memory_space<semaphore_mem>>) attributes {dimension_semantics = [#tpu.dimension_semantics<core_parallel>, #tpu.dimension_semantics<subcore_parallel>], iteration_bounds = array<i64: 2, 16>, scalar_prefetch = 0 : i64, scratch_operands = 7 : i64, tpu.core_type = #tpu.core_type<sc_vector_subcore>, window_params = [{transform_indices = #map}, {transform_indices = #map1}, {transform_indices = #map1}, {transform_indices = #map1}, {transform_indices = #map}, {transform_indices = #map2}]} {
    %mul3A = arith.constant 2 : i32
    %mul3A_0 = arith.muli %arg1, %mul3A : i32
    %add3A = arith.addi %mul3A_0, %arg0 : i32
    %mul3A_1 = arith.constant 640 : i32
    %mul3A_2 = arith.muli %arg1, %mul3A_1 : i32
    %mul3A_3 = arith.constant 640 : i32
    %mul3A_4 = arith.muli %arg1, %mul3A_3 : i32
    "tpu.region"() ({
      %run_scoped3A = tpu.sem_alloc : memref<!tpu.dma_semaphore, #tpu.memory_space<semaphore_mem>>
      %dma_start3A = arith.constant 0 : i32
      %dma_start3A_17 = tpu.memref_slice %arg13[%mul3A_4, %dma_start3A] : memref<10240x128xf32, #tpu.memory_space<vmem_shared>> -> memref<640x128xf32, #tpu.memory_space<vmem_shared>>
      %dma_start3A_18 = arith.constant 0 : i32
      %dma_start3A_19 = tpu.memref_slice %arg6[%mul3A_2, %dma_start3A_18] : memref<10240x128xf32, #tpu.memory_space<hbm>> -> memref<640x128xf32, #tpu.memory_space<hbm>>
      tpu.enqueue_dma source(%dma_start3A_19 : memref<640x128xf32, #tpu.memory_space<hbm>>) target(%dma_start3A_17 : memref<640x128xf32, #tpu.memory_space<vmem_shared>>) target_semaphore(%run_scoped3A : memref<!tpu.dma_semaphore, #tpu.memory_space<semaphore_mem>>)
      %dma_wait3A = arith.constant 0 : i32
      %dma_wait3A_20 = tpu.memref_slice %arg13[%mul3A_4, %dma_wait3A] : memref<10240x128xf32, #tpu.memory_space<vmem_shared>> -> memref<640x128xf32, #tpu.memory_space<vmem_shared>>
      %dma_wait3A_21 = arith.constant 0 : i32
      %dma_wait3A_22 = tpu.memref_slice %arg6[%mul3A_2, %dma_wait3A_21] : memref<10240x128xf32, #tpu.memory_space<hbm>> -> memref<640x128xf32, #tpu.memory_space<hbm>>
      tpu.wait_dma2 semaphore(%run_scoped3A : memref<!tpu.dma_semaphore, #tpu.memory_space<semaphore_mem>>) src(%dma_wait3A_22 : memref<640x128xf32, #tpu.memory_space<hbm>>) dst(%dma_wait3A_20 : memref<640x128xf32, #tpu.memory_space<vmem_shared>>)
      tpu.yield
    }) : () -> ()
    %barrier3A = arith.constant 0 : index
    tpu.barrier barrier_id(%barrier3A)
    %mul3A_5 = arith.constant 10000 : i32
    %mul3A_6 = arith.muli %add3A, %mul3A_5 : i32
    %scan3A = arith.constant 0 : i32
    %scan3A_7 = arith.constant 0 : i32
    %scan3A_8 = arith.constant 125 : i32
    %scan3A_9 = arith.addi %scan3A_7, %scan3A_8 : i32
    %scan3A_10 = arith.constant 1 : i32
    scf.for %scan3A_17 = %scan3A_7 to %scan3A_9 step %scan3A_10  : i32 {
      %mul3A_18 = arith.constant 80 : i32
      %mul3A_19 = arith.muli %scan3A_17, %mul3A_18 : i32
      %add3A_20 = arith.addi %mul3A_6, %mul3A_19 : i32
      "tpu.region"() ({
        %run_scoped3A = tpu.sem_alloc : memref<!tpu.dma_semaphore, #tpu.memory_space<semaphore_mem>>
        %dma_start3A_31 = tpu.memref_slice %arg3[%add3A_20] : memref<320000xi32, #tpu.memory_space<hbm>> -> memref<80xi32, #tpu.memory_space<hbm>>
        %dma_start3A_32 = tpu.memref_slice %arg3[%add3A_20] : memref<320000xi32, #tpu.memory_space<hbm>> -> memref<80xi32, #tpu.memory_space<hbm>>
        tpu.enqueue_dma source(%dma_start3A_32 : memref<80xi32, #tpu.memory_space<hbm>>) target(%arg8 : memref<80xi32, #tpu.memory_space<vmem>>) target_semaphore(%run_scoped3A : memref<!tpu.dma_semaphore, #tpu.memory_space<semaphore_mem>>)
        %dma_wait3A_33 = tpu.memref_slice %arg3[%add3A_20] : memref<320000xi32, #tpu.memory_space<hbm>> -> memref<80xi32, #tpu.memory_space<hbm>>
        %dma_wait3A_34 = tpu.memref_slice %arg3[%add3A_20] : memref<320000xi32, #tpu.memory_space<hbm>> -> memref<80xi32, #tpu.memory_space<hbm>>
        tpu.wait_dma2 semaphore(%run_scoped3A : memref<!tpu.dma_semaphore, #tpu.memory_space<semaphore_mem>>) src(%dma_wait3A_34 : memref<80xi32, #tpu.memory_space<hbm>>) dst(%arg8 : memref<80xi32, #tpu.memory_space<vmem>>)
        tpu.yield
      }) : () -> ()
      "tpu.region"() ({
        %run_scoped3A = tpu.sem_alloc : memref<!tpu.dma_semaphore, #tpu.memory_space<semaphore_mem>>
        %dma_start3A_31 = tpu.memref_slice %arg4[%add3A_20] : memref<320000xi32, #tpu.memory_space<hbm>> -> memref<80xi32, #tpu.memory_space<hbm>>
        %dma_start3A_32 = tpu.memref_slice %arg4[%add3A_20] : memref<320000xi32, #tpu.memory_space<hbm>> -> memref<80xi32, #tpu.memory_space<hbm>>
        tpu.enqueue_dma source(%dma_start3A_32 : memref<80xi32, #tpu.memory_space<hbm>>) target(%arg9 : memref<80xi32, #tpu.memory_space<vmem>>) target_semaphore(%run_scoped3A : memref<!tpu.dma_semaphore, #tpu.memory_space<semaphore_mem>>)
        %dma_wait3A_33 = tpu.memref_slice %arg4[%add3A_20] : memref<320000xi32, #tpu.memory_space<hbm>> -> memref<80xi32, #tpu.memory_space<hbm>>
        %dma_wait3A_34 = tpu.memref_slice %arg4[%add3A_20] : memref<320000xi32, #tpu.memory_space<hbm>> -> memref<80xi32, #tpu.memory_space<hbm>>
        tpu.wait_dma2 semaphore(%run_scoped3A : memref<!tpu.dma_semaphore, #tpu.memory_space<semaphore_mem>>) src(%dma_wait3A_34 : memref<80xi32, #tpu.memory_space<hbm>>) dst(%arg9 : memref<80xi32, #tpu.memory_space<vmem>>)
        tpu.yield
      }) : () -> ()
      "tpu.region"() ({
        %run_scoped3A = tpu.sem_alloc : memref<!tpu.dma_semaphore, #tpu.memory_space<semaphore_mem>>
        %dma_start3A_31 = tpu.memref_slice %arg5[%add3A_20] : memref<320000xi32, #tpu.memory_space<hbm>> -> memref<80xi32, #tpu.memory_space<hbm>>
        %dma_start3A_32 = tpu.memref_slice %arg5[%add3A_20] : memref<320000xi32, #tpu.memory_space<hbm>> -> memref<80xi32, #tpu.memory_space<hbm>>
        tpu.enqueue_dma source(%dma_start3A_32 : memref<80xi32, #tpu.memory_space<hbm>>) target(%arg10 : memref<80xi32, #tpu.memory_space<vmem>>) target_semaphore(%run_scoped3A : memref<!tpu.dma_semaphore, #tpu.memory_space<semaphore_mem>>)
        %dma_wait3A_33 = tpu.memref_slice %arg5[%add3A_20] : memref<320000xi32, #tpu.memory_space<hbm>> -> memref<80xi32, #tpu.memory_space<hbm>>
        %dma_wait3A_34 = tpu.memref_slice %arg5[%add3A_20] : memref<320000xi32, #tpu.memory_space<hbm>> -> memref<80xi32, #tpu.memory_space<hbm>>
        tpu.wait_dma2 semaphore(%run_scoped3A : memref<!tpu.dma_semaphore, #tpu.memory_space<semaphore_mem>>) src(%dma_wait3A_34 : memref<80xi32, #tpu.memory_space<hbm>>) dst(%arg10 : memref<80xi32, #tpu.memory_space<vmem>>)
        tpu.yield
      }) : () -> ()
      %dma_start3A = arith.constant 0 : i32
      %dma_start3A_21 = arith.constant 0 : i32
      %dma_start3A_22 = tpu.memref_slice %arg2[%dma_start3A, %dma_start3A_21] : memref<10500x128xf32, #tpu.memory_space<hbm>> -> memref<10500x128xf32, #tpu.memory_space<hbm>>
      tpu.enqueue_indirect_dma source(%dma_start3A_22 : memref<10500x128xf32, #tpu.memory_space<hbm>>) target(%arg11 : memref<80x128xf32, #tpu.memory_space<vmem>>) offsets(%arg8 : memref<80xi32, #tpu.memory_space<vmem>>) semaphore(%arg14 : memref<!tpu.dma_semaphore, #tpu.memory_space<semaphore_mem>>)
      %dma_start3A_23 = arith.constant 0 : i32
      %dma_start3A_24 = arith.constant 0 : i32
      %dma_start3A_25 = tpu.memref_slice %arg2[%dma_start3A_23, %dma_start3A_24] : memref<10500x128xf32, #tpu.memory_space<hbm>> -> memref<10500x128xf32, #tpu.memory_space<hbm>>
      tpu.enqueue_indirect_dma source(%dma_start3A_25 : memref<10500x128xf32, #tpu.memory_space<hbm>>) target(%arg12 : memref<80x128xf32, #tpu.memory_space<vmem>>) offsets(%arg9 : memref<80xi32, #tpu.memory_space<vmem>>) semaphore(%arg14 : memref<!tpu.dma_semaphore, #tpu.memory_space<semaphore_mem>>)
      %dma_wait3A = arith.constant 0 : i32
      %dma_wait3A_26 = arith.constant 0 : i32
      %dma_wait3A_27 = tpu.memref_slice %arg2[%dma_wait3A, %dma_wait3A_26] : memref<10500x128xf32, #tpu.memory_space<hbm>> -> memref<10500x128xf32, #tpu.memory_space<hbm>>
      tpu.wait_indirect_dma semaphore(%arg14 : memref<!tpu.dma_semaphore, #tpu.memory_space<semaphore_mem>>) src(%dma_wait3A_27 : memref<10500x128xf32, #tpu.memory_space<hbm>>) dst(%arg11 : memref<80x128xf32, #tpu.memory_space<vmem>>)
      %dma_wait3A_28 = arith.constant 0 : i32
      %dma_wait3A_29 = arith.constant 0 : i32
      %dma_wait3A_30 = tpu.memref_slice %arg2[%dma_wait3A_28, %dma_wait3A_29] : memref<10500x128xf32, #tpu.memory_space<hbm>> -> memref<10500x128xf32, #tpu.memory_space<hbm>>
      tpu.wait_indirect_dma semaphore(%arg14 : memref<!tpu.dma_semaphore, #tpu.memory_space<semaphore_mem>>) src(%dma_wait3A_30 : memref<10500x128xf32, #tpu.memory_space<hbm>>) dst(%arg12 : memref<80x128xf32, #tpu.memory_space<vmem>>)
      "tpu.region"() ({
        %run_scoped3A = tpu.sem_alloc : memref<!tpu.dma_semaphore, #tpu.memory_space<semaphore_mem>>
        %dma_start3A_31 = arith.constant 0 : i32
        %dma_start3A_32 = arith.constant 0 : i32
        %dma_start3A_33 = tpu.memref_slice %arg13[%dma_start3A_31, %dma_start3A_32] : memref<10240x128xf32, #tpu.memory_space<vmem_shared>> -> memref<10240x128xf32, #tpu.memory_space<vmem_shared>>
        tpu.enqueue_indirect_dma source(%arg11 : memref<80x128xf32, #tpu.memory_space<vmem>>) target(%dma_start3A_33 : memref<10240x128xf32, #tpu.memory_space<vmem_shared>>) offsets(%arg10 : memref<80xi32, #tpu.memory_space<vmem>>) semaphore(%run_scoped3A : memref<!tpu.dma_semaphore, #tpu.memory_space<semaphore_mem>>) {add = true}
        %dma_wait3A_34 = arith.constant 0 : i32
        %dma_wait3A_35 = arith.constant 0 : i32
        %dma_wait3A_36 = tpu.memref_slice %arg13[%dma_wait3A_34, %dma_wait3A_35] : memref<10240x128xf32, #tpu.memory_space<vmem_shared>> -> memref<10240x128xf32, #tpu.memory_space<vmem_shared>>
        tpu.wait_indirect_dma semaphore(%run_scoped3A : memref<!tpu.dma_semaphore, #tpu.memory_space<semaphore_mem>>) src(%arg11 : memref<80x128xf32, #tpu.memory_space<vmem>>) dst(%dma_wait3A_36 : memref<10240x128xf32, #tpu.memory_space<vmem_shared>>)
        tpu.yield
      }) : () -> ()
      "tpu.region"() ({
        %run_scoped3A = tpu.sem_alloc : memref<!tpu.dma_semaphore, #tpu.memory_space<semaphore_mem>>
        %dma_start3A_31 = arith.constant 0 : i32
        %dma_start3A_32 = arith.constant 0 : i32
        %dma_start3A_33 = tpu.memref_slice %arg13[%dma_start3A_31, %dma_start3A_32] : memref<10240x128xf32, #tpu.memory_space<vmem_shared>> -> memref<10240x128xf32, #tpu.memory_space<vmem_shared>>
        tpu.enqueue_indirect_dma source(%arg12 : memref<80x128xf32, #tpu.memory_space<vmem>>) target(%dma_start3A_33 : memref<10240x128xf32, #tpu.memory_space<vmem_shared>>) offsets(%arg10 : memref<80xi32, #tpu.memory_space<vmem>>) semaphore(%run_scoped3A : memref<!tpu.dma_semaphore, #tpu.memory_space<semaphore_mem>>) {add = true}
        %dma_wait3A_34 = arith.constant 0 : i32
        %dma_wait3A_35 = arith.constant 0 : i32
        %dma_wait3A_36 = tpu.memref_slice %arg13[%dma_wait3A_34, %dma_wait3A_35] : memref<10240x128xf32, #tpu.memory_space<vmem_shared>> -> memref<10240x128xf32, #tpu.memory_space<vmem_shared>>
        tpu.wait_indirect_dma semaphore(%run_scoped3A : memref<!tpu.dma_semaphore, #tpu.memory_space<semaphore_mem>>) src(%arg12 : memref<80x128xf32, #tpu.memory_space<vmem>>) dst(%dma_wait3A_36 : memref<10240x128xf32, #tpu.memory_space<vmem_shared>>)
        tpu.yield
      }) : () -> ()
    }
    %scan3A_11 = arith.constant 125 : i32
    %barrier3A_12 = arith.constant 0 : index
    tpu.barrier barrier_id(%barrier3A_12)
    %mul3A_13 = arith.constant 640 : i32
    %mul3A_14 = arith.muli %arg1, %mul3A_13 : i32
    %mul3A_15 = arith.constant 640 : i32
    %mul3A_16 = arith.muli %arg1, %mul3A_15 : i32
    "tpu.region"() ({
      %run_scoped3A = tpu.sem_alloc : memref<!tpu.dma_semaphore, #tpu.memory_space<semaphore_mem>>
      %dma_start3A = arith.constant 0 : i32
      %dma_start3A_17 = arith.constant 0 : i32
      %dma_start3A_18 = tpu.memref_slice %arg7[%arg0, %dma_start3A, %dma_start3A_17] : memref<2x10240x128xf32, #tpu.memory_space<hbm>> -> memref<1x10240x128xf32, #tpu.memory_space<hbm>>
      %dma_start3A_19 = tpu.memref_squeeze %dma_start3A_18 : memref<1x10240x128xf32, #tpu.memory_space<hbm>> -> memref<10240x128xf32, #tpu.memory_space<hbm>>
      %dma_start3A_20 = arith.constant 0 : i32
      %dma_start3A_21 = tpu.memref_slice %dma_start3A_19[%mul3A_16, %dma_start3A_20] : memref<10240x128xf32, #tpu.memory_space<hbm>> -> memref<640x128xf32, #tpu.memory_space<hbm>>
      %dma_start3A_22 = arith.constant 0 : i32
      %dma_start3A_23 = tpu.memref_slice %arg13[%mul3A_14, %dma_start3A_22] : memref<10240x128xf32, #tpu.memory_space<vmem_shared>> -> memref<640x128xf32, #tpu.memory_space<vmem_shared>>
      tpu.enqueue_dma source(%dma_start3A_23 : memref<640x128xf32, #tpu.memory_space<vmem_shared>>) target(%dma_start3A_21 : memref<640x128xf32, #tpu.memory_space<hbm>>) target_semaphore(%run_scoped3A : memref<!tpu.dma_semaphore, #tpu.memory_space<semaphore_mem>>)
      %dma_wait3A = arith.constant 0 : i32
      %dma_wait3A_24 = arith.constant 0 : i32
      %dma_wait3A_25 = tpu.memref_slice %arg7[%arg0, %dma_wait3A, %dma_wait3A_24] : memref<2x10240x128xf32, #tpu.memory_space<hbm>> -> memref<1x10240x128xf32, #tpu.memory_space<hbm>>
      %dma_wait3A_26 = tpu.memref_squeeze %dma_wait3A_25 : memref<1x10240x128xf32, #tpu.memory_space<hbm>> -> memref<10240x128xf32, #tpu.memory_space<hbm>>
      %dma_wait3A_27 = arith.constant 0 : i32
      %dma_wait3A_28 = tpu.memref_slice %dma_wait3A_26[%mul3A_16, %dma_wait3A_27] : memref<10240x128xf32, #tpu.memory_space<hbm>> -> memref<640x128xf32, #tpu.memory_space<hbm>>
      %dma_wait3A_29 = arith.constant 0 : i32
      %dma_wait3A_30 = tpu.memref_slice %arg13[%mul3A_14, %dma_wait3A_29] : memref<10240x128xf32, #tpu.memory_space<vmem_shared>> -> memref<640x128xf32, #tpu.memory_space<vmem_shared>>
      tpu.wait_dma2 semaphore(%run_scoped3A : memref<!tpu.dma_semaphore, #tpu.memory_space<semaphore_mem>>) src(%dma_wait3A_30 : memref<640x128xf32, #tpu.memory_space<vmem_shared>>) dst(%dma_wait3A_28 : memref<640x128xf32, #tpu.memory_space<hbm>>)
      tpu.yield
    }) : () -> ()
    return
  }
}

module attributes {stable_mosaic.version = 14 : i64} {
  func.func @body(%arg0: memref<500x128xf32, #tpu.memory_space<vmem>>, %arg1: memref<128x128xf32, #tpu.memory_space<vmem>>, %arg2: memref<128x128xf32, #tpu.memory_space<vmem>>, %arg3: memref<500x128xf32, #tpu.memory_space<vmem>>, %arg4: memref<500x128xf32, #tpu.memory_space<vmem>>) attributes {dimension_semantics = [], scalar_prefetch = 0 : i64, scratch_operands = 0 : i64, tpu.core_type = #tpu.core_type<tc>} {
    %get3A = arith.constant 0 : index
    %get3A_0 = arith.constant 0 : index
    %get3A_1 = vector.load %arg0[%get3A, %get3A_0] : memref<500x128xf32, #tpu.memory_space<vmem>>, vector<500x128xf32>
    %get3A_2 = arith.constant 0 : index
    %get3A_3 = arith.constant 0 : index
    %get3A_4 = vector.load %arg1[%get3A_2, %get3A_3] : memref<128x128xf32, #tpu.memory_space<vmem>>, vector<128x128xf32>
    %dot_general3A = arith.constant dense<0.000000e+00> : vector<500x128xf32>
    %dot_general3A_5 = tpu.matmul %get3A_1, %get3A_4, %dot_general3A {dimension_numbers = #tpu.dot_dimension_numbers<[1], [0], [0], [1], [0, 0, 1, 1], [], []>, transpose_lhs_hint = false} : vector<500x128xf32>, vector<128x128xf32>, vector<500x128xf32> -> vector<500x128xf32>
    %swap3A = arith.constant 0 : index
    %swap3A_6 = arith.constant 0 : index
    %swap3A_7 = vector.load %arg3[%swap3A, %swap3A_6] : memref<500x128xf32, #tpu.memory_space<vmem>>, vector<500x128xf32>
    tpu.vector_store %arg3[%swap3A, %swap3A_6], %dot_general3A_5 {strides = array<i32>} : memref<500x128xf32, #tpu.memory_space<vmem>>, vector<500x128xf32>,
    %get3A_8 = arith.constant 0 : index
    %get3A_9 = arith.constant 0 : index
    %get3A_10 = vector.load %arg2[%get3A_8, %get3A_9] : memref<128x128xf32, #tpu.memory_space<vmem>>, vector<128x128xf32>
    %dot_general3A_11 = arith.constant dense<0.000000e+00> : vector<500x128xf32>
    %dot_general3A_12 = tpu.matmul %dot_general3A_5, %get3A_10, %dot_general3A_11 {dimension_numbers = #tpu.dot_dimension_numbers<[1], [0], [0], [1], [0, 0, 1, 1], [], []>, transpose_lhs_hint = false} : vector<500x128xf32>, vector<128x128xf32>, vector<500x128xf32> -> vector<500x128xf32>
    %swap3A_13 = arith.constant 0 : index
    %swap3A_14 = arith.constant 0 : index
    %swap3A_15 = vector.load %arg4[%swap3A_13, %swap3A_14] : memref<500x128xf32, #tpu.memory_space<vmem>>, vector<500x128xf32>
    tpu.vector_store %arg4[%swap3A_13, %swap3A_14], %dot_general3A_12 {strides = array<i32>} : memref<500x128xf32, #tpu.memory_space<vmem>>, vector<500x128xf32>,
    return
  }
}

module attributes {stable_mosaic.version = 14 : i64} {
  func.func @body(%arg0: i32, %arg1: memref<1000x128xf32, #tpu.memory_space<vmem>>, %arg2: memref<1000x128xf32, #tpu.memory_space<vmem>>, %arg3: memref<1000x128xf32, #tpu.memory_space<vmem>>, %arg4: memref<128x128xf32, #tpu.memory_space<vmem>>, %arg5: memref<128x128xf32, #tpu.memory_space<vmem>>, %arg6: memref<1000x128xf32, #tpu.memory_space<vmem>>) attributes {dimension_semantics = [#tpu.dimension_semantics<arbitrary>], iteration_bounds = array<i64: 10>, scalar_prefetch = 0 : i64, scratch_operands = 0 : i64, tpu.core_type = #tpu.core_type<tc>, window_params = [{transform_indices = @transform_0, window_bounds = array<i64: 1000, 128>}, {transform_indices = @transform_1, window_bounds = array<i64: 1000, 128>}, {transform_indices = @transform_2, window_bounds = array<i64: 1000, 128>}, {pipeline_mode = #tpu.pipeline_mode<synchronous>, transform_indices = @transform_3, window_bounds = array<i64: 128, 128>}, {pipeline_mode = #tpu.pipeline_mode<synchronous>, transform_indices = @transform_4, window_bounds = array<i64: 128, 128>}, {transform_indices = @transform_5, window_bounds = array<i64: 1000, 128>}]} {
    %get3A = arith.constant 0 : index
    %get3A_0 = arith.constant 0 : index
    %get3A_1 = vector.load %arg1[%get3A, %get3A_0] : memref<1000x128xf32, #tpu.memory_space<vmem>>, vector<1000x128xf32>
    %get3A_2 = arith.constant 0 : index
    %get3A_3 = arith.constant 0 : index
    %get3A_4 = vector.load %arg2[%get3A_2, %get3A_3] : memref<1000x128xf32, #tpu.memory_space<vmem>>, vector<1000x128xf32>
    %add3A = arith.addf %get3A_1, %get3A_4 : vector<1000x128xf32>
    %get3A_5 = arith.constant 0 : index
    %get3A_6 = arith.constant 0 : index
    %get3A_7 = vector.load %arg4[%get3A_5, %get3A_6] : memref<128x128xf32, #tpu.memory_space<vmem>>, vector<128x128xf32>
    %dot_general3A = arith.constant dense<0.000000e+00> : vector<1000x128xf32>
    %dot_general3A_8 = tpu.matmul %add3A, %get3A_7, %dot_general3A {dimension_numbers = #tpu.dot_dimension_numbers<[1], [0], [0], [1], [0, 0, 1, 1], [], []>, transpose_lhs_hint = false} : vector<1000x128xf32>, vector<128x128xf32>, vector<1000x128xf32> -> vector<1000x128xf32>
    %get3A_9 = arith.constant 0 : index
    %get3A_10 = arith.constant 0 : index
    %get3A_11 = vector.load %arg3[%get3A_9, %get3A_10] : memref<1000x128xf32, #tpu.memory_space<vmem>>, vector<1000x128xf32>
    %get3A_12 = arith.constant 0 : index
    %get3A_13 = arith.constant 0 : index
    %get3A_14 = vector.load %arg5[%get3A_12, %get3A_13] : memref<128x128xf32, #tpu.memory_space<vmem>>, vector<128x128xf32>
    %dot_general3A_15 = arith.constant dense<0.000000e+00> : vector<1000x128xf32>
    %dot_general3A_16 = tpu.matmul %get3A_11, %get3A_14, %dot_general3A_15 {dimension_numbers = #tpu.dot_dimension_numbers<[1], [0], [0], [1], [0, 0, 1, 1], [], []>, transpose_lhs_hint = false} : vector<1000x128xf32>, vector<128x128xf32>, vector<1000x128xf32> -> vector<1000x128xf32>
    %add3A_17 = arith.addf %dot_general3A_8, %dot_general3A_16 : vector<1000x128xf32>
    %tanh3A = math.tanh %add3A_17 : vector<1000x128xf32>
    %swap3A = arith.constant 0 : index
    %swap3A_18 = arith.constant 0 : index
    %swap3A_19 = vector.load %arg6[%swap3A, %swap3A_18] : memref<1000x128xf32, #tpu.memory_space<vmem>>, vector<1000x128xf32>
    tpu.vector_store %arg6[%swap3A, %swap3A_18], %tanh3A {strides = array<i32>} : memref<1000x128xf32, #tpu.memory_space<vmem>>, vector<1000x128xf32>,
    return
  }
  func.func @transform_0(%arg0: i32) -> (i32, i32) {
    %c0_i32 = arith.constant 0 : i32
    %c0_i32_0 = arith.constant 0 : i32
    return %arg0, %c0_i32 : i32, i32
  }
  func.func @transform_1(%arg0: i32) -> (i32, i32) {
    %c0_i32 = arith.constant 0 : i32
    %c0_i32_0 = arith.constant 0 : i32
    return %arg0, %c0_i32 : i32, i32
  }
  func.func @transform_2(%arg0: i32) -> (i32, i32) {
    %c0_i32 = arith.constant 0 : i32
    %c0_i32_0 = arith.constant 0 : i32
    return %arg0, %c0_i32 : i32, i32
  }
  func.func @transform_3(%arg0: i32) -> (i32, i32) {
    %c0_i32 = arith.constant 0 : i32
    %c0_i32_0 = arith.constant 0 : i32
    %c0_i32_1 = arith.constant 0 : i32
    return %c0_i32, %c0_i32_0 : i32, i32
  }
  func.func @transform_4(%arg0: i32) -> (i32, i32) {
    %c0_i32 = arith.constant 0 : i32
    %c0_i32_0 = arith.constant 0 : i32
    %c0_i32_1 = arith.constant 0 : i32
    return %c0_i32, %c0_i32_0 : i32, i32
  }
  func.func @transform_5(%arg0: i32) -> (i32, i32) {
    %c0_i32 = arith.constant 0 : i32
    %c0_i32_0 = arith.constant 0 : i32
    return %arg0, %c0_i32 : i32, i32
  }
}

module attributes {stable_mosaic.version = 14 : i64} {
  func.func @body(%arg0: i32, %arg1: memref<2048x128xf32, #tpu.memory_space<vmem>>, %arg2: memref<2048x128xf32, #tpu.memory_space<vmem>>, %arg3: memref<2048x128xf32, #tpu.memory_space<vmem>>, %arg4: memref<2048xf32, #tpu.memory_space<vmem>>) attributes {dimension_semantics = [#tpu.dimension_semantics<arbitrary>], iteration_bounds = array<i64: 8>, scalar_prefetch = 0 : i64, scratch_operands = 0 : i64, tpu.core_type = #tpu.core_type<tc>, window_params = [{transform_indices = @transform_0, window_bounds = array<i64: 2048, 128>}, {transform_indices = @transform_1, window_bounds = array<i64: 2048, 128>}, {transform_indices = @transform_2, window_bounds = array<i64: 2048, 128>}, {transform_indices = @transform_3, window_bounds = array<i64: 2048>}]} {
    %get3A = arith.constant 0 : index
    %get3A_0 = arith.constant 0 : index
    %get3A_1 = vector.load %arg1[%get3A, %get3A_0] : memref<2048x128xf32, #tpu.memory_space<vmem>>, vector<2048x128xf32>
    %get3A_2 = arith.constant 0 : index
    %get3A_3 = arith.constant 0 : index
    %get3A_4 = vector.load %arg2[%get3A_2, %get3A_3] : memref<2048x128xf32, #tpu.memory_space<vmem>>, vector<2048x128xf32>
    %get3A_5 = arith.constant 0 : index
    %get3A_6 = arith.constant 0 : index
    %get3A_7 = vector.load %arg3[%get3A_5, %get3A_6] : memref<2048x128xf32, #tpu.memory_space<vmem>>, vector<2048x128xf32>
    %slice3A = vector.extract_strided_slice %get3A_1 {offsets = [0, 0], sizes = [2048, 64], strides = [1, 1]} : vector<2048x128xf32> to vector<2048x64xf32>
    %slice3A_8 = vector.extract_strided_slice %get3A_1 {offsets = [0, 64], sizes = [2048, 64], strides = [1, 1]} : vector<2048x128xf32> to vector<2048x64xf32>
    %slice3A_9 = vector.extract_strided_slice %get3A_4 {offsets = [0, 0], sizes = [2048, 64], strides = [1, 1]} : vector<2048x128xf32> to vector<2048x64xf32>
    %slice3A_10 = vector.extract_strided_slice %get3A_4 {offsets = [0, 64], sizes = [2048, 64], strides = [1, 1]} : vector<2048x128xf32> to vector<2048x64xf32>
    %slice3A_11 = vector.extract_strided_slice %get3A_7 {offsets = [0, 0], sizes = [2048, 64], strides = [1, 1]} : vector<2048x128xf32> to vector<2048x64xf32>
    %slice3A_12 = vector.extract_strided_slice %get3A_7 {offsets = [0, 64], sizes = [2048, 64], strides = [1, 1]} : vector<2048x128xf32> to vector<2048x64xf32>
    %mul3A = arith.mulf %slice3A, %slice3A_11 : vector<2048x64xf32>
    %mul3A_13 = arith.mulf %slice3A_8, %slice3A_12 : vector<2048x64xf32>
    %sub3A = arith.subf %mul3A, %mul3A_13 : vector<2048x64xf32>
    %mul3A_14 = arith.mulf %slice3A_9, %sub3A : vector<2048x64xf32>
    %mul3A_15 = arith.mulf %slice3A, %slice3A_12 : vector<2048x64xf32>
    %mul3A_16 = arith.mulf %slice3A_8, %slice3A_11 : vector<2048x64xf32>
    %add3A = arith.addf %mul3A_15, %mul3A_16 : vector<2048x64xf32>
    %mul3A_17 = arith.mulf %slice3A_10, %add3A : vector<2048x64xf32>
    %add3A_18 = arith.addf %mul3A_14, %mul3A_17 : vector<2048x64xf32>
    %reduce_sum3A = arith.constant dense<0.000000e+00> : vector<2048xf32>
    %reduce_sum3A_19 = vector.multi_reduction <add>, %add3A_18, %reduce_sum3A [1] : vector<2048x64xf32> to vector<2048xf32>
    %swap3A = arith.constant 0 : index
    %swap3A_20 = vector.load %arg4[%swap3A] : memref<2048xf32, #tpu.memory_space<vmem>>, vector<2048xf32>
    tpu.vector_store %arg4[%swap3A], %reduce_sum3A_19 {strides = array<i32>} : memref<2048xf32, #tpu.memory_space<vmem>>, vector<2048xf32>,
    return
  }
  func.func @transform_0(%arg0: i32) -> (i32, i32) {
    %c0_i32 = arith.constant 0 : i32
    %c0_i32_0 = arith.constant 0 : i32
    return %arg0, %c0_i32 : i32, i32
  }
  func.func @transform_1(%arg0: i32) -> (i32, i32) {
    %c0_i32 = arith.constant 0 : i32
    %c0_i32_0 = arith.constant 0 : i32
    return %arg0, %c0_i32 : i32, i32
  }
  func.func @transform_2(%arg0: i32) -> (i32, i32) {
    %c0_i32 = arith.constant 0 : i32
    %c0_i32_0 = arith.constant 0 : i32
    return %arg0, %c0_i32 : i32, i32
  }
  func.func @transform_3(%arg0: i32) -> i32 {
    %c0_i32 = arith.constant 0 : i32
    return %arg0 : i32
  }
}

</mosaic_0001>

<sc_bundles>
// kernel: kernel.12.cloned.1.call-start
scs
__scs_entry_jumppad:
0x0: {  	(pc) =	sbr.rel $0x88, $3  }
0x1: {  	(tag) =	ssettag $0x0;
	lr =	simm.s32 $0x1  }
0x2: {  	[smem:$0x3F94] =	sst lr;
	_ =	strace $0xD0000000  }
0x3: {  	_ = 	snop  }
0x4: {  	_ = 	snop  }
0x5: {  	_ = 	snop  }
0x6: {  	_ = 	snop  }
0x7: {  	_ = 	snop  }
__scs_overlays_trampoline_lowered:
0x8: {  	[smem:$0x3FA3] =	sst s0  }
0x9: {  	[smem:$0x3FA4] =	sst s1  }
0xa: {  	[smem:$0x3FA5] =	sst s2  }
0xb: {  	[smem:$0x3FA6] =	sst s3  }
0xc: {  	[smem:$0x3FA7] =	sst s4  }
0xd: {  	[smem:$0x3FA8] =	sst s5  }
0xe: {  	[smem:$0x3FA9] =	sst s6  }
0xf: {  	[smem:$0x3FAA] =	sst s7  }
0x10: {  	[smem:$0x3FAB] =	sst s8  }
0x11: {  	[smem:$0x3FAC] =	sst s9;
	s0 =	simm.s32 @!p0 $0x0  }
0x12: {  	s1 =	sld [smem:$0x3F92];
	s0 =	simm.s32 @p0 $0x1  }
0x13: {  	[smem:$0x3FAD] =	sst s0;
	s0 =	simm.s32 @!p1 $0x0  }
0x14: {  	s2 =	sld [smem:$0x3F91];
	s0 =	simm.s32 @p1 $0x1  }
0x15: {  	[smem:$0x3FAE] =	sst s0;
	s0 =	simm.s32 @!p2 $0x0  }
0x16: {  	s3 =	sld [smem:$0x3FDB];
	s0 =	simm.s32 @p2 $0x1  }
0x17: {  	s4 =	simm.s32 $0x1BF5;
	[smem:$0x3FB0] =	sst s0  }
0x18: {  	s0 =	sld [smem:$0x3F93];
	_ =	swait.ge [sflag:s4], $0x0  }
0x19: {  	s7 =	sld [smem:$0x3F94]  }
0x1a: {  	s8 =	sadd.s32 $0xFFFFE003, lr  }
0x1b: {  	s9 =	sadd.s32 $0xFFFFFEF7, lr;
	s5 =	simm.s32 $0xFFFFFFFF;
	p2 =	slt.u32 s8, $0xFFFFF086  }
0x1c: {  	p1 =	slt.u32 s9, $0xF7A;
	s5 =	simm.s32 @!p2 $0x0  }
0x1d: {  	s5 =	simm.s32 @p1 $0x1;
	p0 =	seq.s32 s7, s2  }
0x1e: {  	s7 =	smul.u32 @!p0 $0xF7A, s2;
	p2 =	seq.s32 @!p0 s5, $0x0  }
0x1f: {  	s9 =	smul.u32 $0xF7A, s1;
	s8 =	simm.s32 @!p0 $0x1BF5;
	p2 =	por !p2, p0  }
0x20: {  	[sflag:s8] =	ssyncset.s32 @!p0 $0xFFFFF086;
	s6 =	sadd.s32 @!p0 s3, s7;
	s7 =	simm.s32 @!p0 $0x108  }
0x21: {  	s3 =	sadd.s32 s3, s9;
	s6 =	sadd.s32 @!p0 $0x88, s6;
	s7 =	simm.s32 @p2 $0x1082  }
0x22: {  	[simem:s7], [sflag:s8] =	dma.local @!p0 [hbm:s6], $0xF7A  }
0x23: {  	s9 =	sor.u32 $0xD0000000, s2;
	s6 =	simm.s32 $0x108;
	_ =	swait.ge @!p0 [sflag:s8], $0x0  }
0x24: {  	s3 =	sadd.s32 $0x88, s3;
	s6 =	simm.s32 @!p1 $0x1082;
	[sflag:s4] =	ssyncset.s32 $0xFFFFF086  }
0x25: {  	[simem:s6], [sflag:s4] =	dma.local [hbm:s3], $0xF7A  }
0x26: {  	[smem:$0x3F94] =	sst s1;
	(tag) =	ssettag s2;
	_ =	strace s9  }
0x27: {  	s1 =	sld [smem:$0x3FA4]  }
0x28: {  	s2 =	sld [smem:$0x3FA5]  }
0x29: {  	s4 =	sld [smem:$0x3FA7]  }
0x2a: {  	p0 =	seq.s32 s5, $0x0;
	s5 =	sld [smem:$0x3FA8]  }
0x2b: {  	s6 =	sld [smem:$0x3FA9]  }
0x2c: {  	s7 =	sld [smem:$0x3FAA]  }
0x2d: {  	s3 =	simm.s32 $0x108;
	s8 =	sld [smem:$0x3FAB]  }
0x2e: {  	s3 =	simm.s32 @!p0 $0x1082;
	s9 =	sld [smem:$0x3FAC]  }
0x2f: {  	lr =	sadd.s32 s0, s3;
	s0 =	sld [smem:$0x3FA3]  }
0x30: {  	s3 =	sld [smem:$0x3FA6]  }
0x31: {  	[smem:$0x3FAF] =	sst s10  }
0x32: {  	s10 =	sld [smem:$0x3FAD];
	_ =	sdelay $0x3  }
0x33: {  	p0 =	seq.s32 s10, $0x1;
	s10 =	sld [smem:$0x3FAF];
	_ =	sdelay $0x3  }
0x34: {  	[smem:$0x3FAF] =	sst s10  }
0x35: {  	s10 =	sld [smem:$0x3FAE];
	_ =	sdelay $0x3  }
0x36: {  	p1 =	seq.s32 s10, $0x1;
	s10 =	sld [smem:$0x3FAF];
	_ =	sdelay $0x3  }
0x37: {  	[smem:$0x3FAF] =	sst s10  }
0x38: {  	s10 =	sld [smem:$0x3FB0]  }
0x39: {  	_ = 	snop;
	(pc) =	sbr.ind lr, $3  }
0x3a: {  	_ = 	snop  }
0x3b: {  	_ = 	snop  }
0x3c: {  	p2 =	seq.s32 s10, $0x1;
	s10 =	sld [smem:$0x3FAF]  }
0x3d: {  	_ =	shalt  }
0x3e: {  	_ =	shalt  }
0x3f: {  	_ =	shalt  }
0x40: {  	_ =	shalt  }
0x41: {  	_ =	shalt  }
0x42: {  	_ =	shalt  }
0x43: {  	_ =	shalt  }
0x44: {  	_ =	shalt  }
0x45: {  	_ =	shalt  }
0x46: {  	_ =	shalt  }
0x47: {  	_ =	shalt  }
0x48: {  	_ =	shalt  }
0x49: {  	_ =	shalt  }
0x4a: {  	_ =	shalt  }
0x4b: {  	_ =	shalt  }
0x4c: {  	_ =	shalt  }
0x4d: {  	_ =	shalt  }
0x4e: {  	_ =	shalt  }
0x4f: {  	_ =	shalt  }
0x50: {  	_ =	shalt  }
0x51: {  	_ =	shalt  }
0x52: {  	_ =	shalt  }
0x53: {  	_ =	shalt  }
0x54: {  	_ =	shalt  }
0x55: {  	_ =	shalt  }
0x56: {  	_ =	shalt  }
0x57: {  	_ =	shalt  }
0x58: {  	_ =	shalt  }
0x59: {  	_ =	shalt  }
0x5a: {  	_ =	shalt  }
0x5b: {  	_ =	shalt  }
0x5c: {  	_ =	shalt  }
0x5d: {  	_ =	shalt  }
0x5e: {  	_ =	shalt  }
0x5f: {  	_ =	shalt  }
0x60: {  	_ =	shalt  }
0x61: {  	_ =	shalt  }
0x62: {  	_ =	shalt  }
0x63: {  	_ =	shalt  }
0x64: {  	_ =	shalt  }
0x65: {  	_ =	shalt  }
0x66: {  	_ =	shalt  }
0x67: {  	_ =	shalt  }
0x68: {  	_ =	shalt  }
0x69: {  	_ =	shalt  }
0x6a: {  	_ =	shalt  }
0x6b: {  	_ =	shalt  }
0x6c: {  	_ =	shalt  }
0x6d: {  	_ =	shalt  }
0x6e: {  	_ =	shalt  }
0x6f: {  	_ =	shalt  }
0x70: {  	_ =	shalt  }
0x71: {  	_ =	shalt  }
0x72: {  	_ =	shalt  }
0x73: {  	_ =	shalt  }
0x74: {  	_ =	shalt  }
0x75: {  	_ =	shalt  }
0x76: {  	_ =	shalt  }
0x77: {  	_ =	shalt  }
0x78: {  	_ =	shalt  }
0x79: {  	_ =	shalt  }
0x7a: {  	_ =	shalt  }
0x7b: {  	_ =	shalt  }
0x7c: {  	_ =	shalt  }
0x7d: {  	_ =	shalt  }
0x7e: {  	_ =	shalt  }
0x7f: {  	_ =	shalt  }
0x80: {  	_ =	shalt  }
0x81: {  	_ =	shalt  }
0x82: {  	_ =	shalt  }
0x83: {  	_ =	shalt  }
0x84: {  	_ =	shalt  }
0x85: {  	_ =	shalt  }
0x86: {  	_ =	shalt  }
0x87: {  	_ =	shalt  }
.Lfunc_end0:
.L_simem_size_0:
called_computation.1_lowered:
.L_overlay_start_0:
0x88: {  	s2 =	sld [smem:$0x3FD9]  }
0x89: {  	s3 =	sld [smem:$0x3FFE];
	_ =	sdelay $0x1  }
0x8a: {  	s1 =	srdreg.scid  }
0x8b: {  	s0 =	sand.u32 $0x1, s1  }
0x8c: {  	s16 =	sshll.u32 s0, $0xA;
	s2 =	sadd.s32 s3, s2  }
0x8d: {  	s2 =	sadd.s32 s2, s16  }
0x8e: {  	[smem:$0x3FBB] =	sst s2  }
0x8f: {  	_ = 	snop  }
0x90: {  	(tm) =	ssettm $0x1  }
0x91: {  	s17 =	sld [smem:$0x3FFB];
	_ =	sdelay $0x3  }
0x92: {  	_ =	strace s17  }
0x93: {  	s2 =	sld [smem:$0x3FFC];
	_ =	sdelay $0x3  }
0x94: {  	_ =	strace s2  }
0x95: {  	s2 =	sld [smem:$0x3FFD];
	_ =	sdelay $0x3  }
0x96: {  	_ =	strace s2  }
0x97: {  	_ =	strace $0x8FFFFFFF  }
0x98: {  	s18 =	sld [smem:$0x3FDB];
	_ =	sdelay $0x1  }
0x99: {  	s19 =	simm.s32 $_scs_section_size  }
0x9a: {  	s4 =	simm.s32 $_size__tile_overlayer_lowered;
	s5 =	simm.s32 $_tile_overlayer_lowered  }
0x9b: {  	s22 =	simm.s32 $0x1BFF;
	s21 =	sshll.u32 s5, $0x1;
	s2 =	sadd.s32 s19, s18  }
0x9c: {  	s6 =	simm.s32 $0x0;
	s20 =	sshll.u32 s4, $0x1;
	s4 =	sadd.s32 s21, s2  }
0x9d: {  	[timem:s6], [sflag:s22] =	dma.local [hbm:s4], s20  }
0x9e: {  	_ =	swait.ge [sflag:s22], s20  }
0x9f: {  	s3 =	ssub.s32 $0x0, s20;
	[sflag:s22] =	ssyncset.done $0x0  }
0xa0: {  	[sflag:s22] =	ssyncadd.s32 s3;
	_ =	sdelay $0x1  }
0xa1: {  	s23 =	simm.s32 $0x1B8B  }
0xa2: {  	_ =	swait.ge [sflag:s23], $0x1  }
0xa3: {  	[sflag:s23] =	ssyncset.done $0x0  }
0xa4: {  	s25 =	simm.s32 $0x1B8E;
	s24 =	sld [smem:$0x3FFE];
	[sflag:s23] =	ssyncadd.s32 $0xFFFFFFFF  }
0xa5: {  	s26 =	simm.s32 $execute0_lowered;
	[smem:$0x3FD2] =	sst s25  }
0xa6: {  	s4 =	sshll.u32 s26, $0x1;
	_ =	strace $0x80000049;
	[dreg:$0x1] =	wrdreg $0xFFFFFFFF  }
0xa7: {  	s28 =	simm.s32 $_size_execute0_lowered;
	s2 =	sadd.s32 s2, s4;
	[dreg:$0x0] =	wrdreg $0x0  }
0xa8: {  	s4 =	sshll.u32 s28, $0x1;
	[dreg:$0x2] =	wrdreg s2  }
0xa9: {  	[dreg:$0x3] =	wrdreg s4  }
0xaa: {  	[dreg:$0x4] =	wrdreg $0xC0  }
0xab: {  	_ =	task [dreg:s6], $0x5FFFF  }
0xac: {  	[dreg:$0x1] =	wrdreg $0xFFFFFFFF  }
0xad: {  	[dreg:$0x0] =	wrdreg $0x60  }
0xae: {  	[dreg:$0x2] =	wrdreg s24  }
0xaf: {  	[dreg:$0x3] =	wrdreg $0x51800  }
0xb0: {  	[dreg:$0x4] =	wrdreg $0x9  }
0xb1: {  	_ =	task.clear_ibuf [dreg:s6], $0x5FFFF;
	_ =	strace $0x90000049  }
0xb2: {  	s29 =	simm.s32 $0x9;
	_ =	strace $0x8000004B  }
0xb3: {  	_ =	swait.ge [sflag:s29], $0x1  }
0xb4: {  	[sflag:s29] =	ssyncadd.s32 $0xFFFFFFFF  }
0xb5: {  	_ =	strace $0x9000004B  }
0xb6: {  	_ =	sfence  }
0xb7: {  	s30 =	sld [smem:$0x0];
	_ =	sdelay $0x2  }
0xb8: {  	s31 =	sshll.u32 s1, $0xD;
	s1 =	sshrl.u32 s1, $0x2  }
0xb9: {  	s3 =	sand.u32 $0x4000, s31;
	s1 =	sadd.s32 s1, s30  }
0xba: {  	s0 =	sor.u32 s3, s0;
	s1 =	sshll.u32 s1, $0x11  }
0xbb: {  	s0 =	sor.u32 s1, s0  }
0xbc: {  	s0 =	sadd.s32 $0x8F2B, s0  }
0xbd: {  	[sflag:s0] =	ssyncadd.remote.s32 $0x1  }
0xbe: {  	_ =	sfence.sel $0xFFFF  }
0xbf: {  	[dreg:$0x0] =	wrdreg $0xFFFFFFFF;
	(pc) =	sbr.abs _section_cstart, $3  }
0xc0: {  	[dreg:$0x1] =	wrdreg $0xFFFFFFFF  }
0xc1: {  	_ =	task.clear_ibuf [dreg:s6], $0x2FFFF;
	_ =	strace $0x9FFFFFFF  }
0xc2: {  	(tm) =	ssettm $0x7FFFFFFF  }
0xc3: {  	_ =	shalt  }
tec
execute0_lowered:
.L_overlay_start_1:
0x0: {  	(tag) =	ssettag $0x1  }
0x1: {  	s5 =	rddreg [dreg:$0x0];
	s1 =	srdreg.scid  }
0x2: {  	s0 =	stileid.u32;
	s2 =	rddreg [dreg:$0x1]  }
0x3: {  	s3 =	simm.s32 $0x0;
	s13 =	simm.s32 $0x80;
	s14 =	simm.s32 $0x100  }
0x4: {  	s15 =	simm.s32 $0x50;
	s16 =	simm.s32 $0x180;
	s4 =	smul.u32 $0x4E20, s0  }
0x5: {  	s17 =	simm.s32 $0x2980;
	s18 =	simm.s32 $0x1;
	s19 =	smul.u32 $0x2800, s0  }
0x6: {  	s6 =	sand.u32 $0x1, s1;
	s1 =	rddreg [dreg:$0x2];
	s28 =	smul.u32 $0x50000, s0  }
0x7: {  	[smem:$0x7FF] =	sst s3;
	s31 =	sshll.u32 s0, $0x6;
	s7 =	smul.u32 $0x2710, s6  }
0x8: {  	_ =	strace $0x8000004A;
	s8 =	smul.u32 $0x28000, s6;
	s6 =	ssub.s32 $0x2, s6  }
0x9: {  	s9 =	sadd.s32 s19, s5;
	s29 =	sshrl.u32 s6, $0x1;
	s30 =	sshrl.u32 s28, $0x2  }
0xa: {  	s7 =	sadd.s32 s7, s4;
	s4 =	sadd.s32 $0x1FC00, s5;
	s8 =	sadd.s32 s8, s5  }
0xb: {  	s11 =	ssub.s32 s6, s29;
	s12 =	sadd.s32 s30, s2;
	s7 =	sshrl.u32 s7, $0x3  }
0xc: {  	s6 =	sor.u32 $0x1C02, s31;
	s20 =	sadd.s32 $0x70E00, s8;
	s10 =	sadd.s32 s7, s5  }
0xd: {  	s5 =	sadd.s32 $0x48E00, s9;
	s7 =	smax.u32 s11, $0x1;
	s11 =	sshrl.u32 s12, $0x3  }
0xe: {  	s12 =	simm.s32 $0x2;
	s19 =	sadd.s32 s19, s20;
	s20 =	simm.s32 $0x0  }
0xf: {  	s8 =	sadd.s32 $0xC000, s10;
	s9 =	sadd.s32 $0x2200, s10;
	s10 =	sadd.s32 $0x15E00, s10  }
.LBB2_1:
0x10: {  	[spmem:s11], [sflag:s6] =	dma.local [hbm:s5], $0x2800  }
0x11: {  	_ =	swait.ge [sflag:s12], $0x2800  }
0x12: {  	[sflag:s12] =	ssyncset.done $0x0  }
0x13: {  	[sflag:s12] =	ssyncadd.s32 $0xFFFFD800  }
0x14: {  	s21 =	sadd.s32 $0x0, s10;
	[bflag:$0x0] =	sbarrier.arrive $0xFFFF  }
0x15: {  	[tilespmem:s3], [sflag:$0x2] =	stream.linear.gather [hbm4b:s21+s3], $0x50, $0x38;
	[tilespmem:$0x19180] =	vst v63  }
0x16: {  	_ =	swait.ge [sflag:s12], $0x50  }
0x17: {  	[sflag:s12] =	ssyncset.done $0x0  }
0x18: {  	s30 =	sadd.s32 $0x0, s9;
	[sflag:s12] =	ssyncadd.s32 $0xFFFFFFB0  }
0x19: {  	[tilespmem:s13], [sflag:$0x2] =	stream.linear.gather [hbm4b:s30+s3], $0x50, $0x38;
	[tilespmem:$0x19180] =	vst v63  }
0x1a: {  	_ =	swait.ge [sflag:s12], $0x50  }
0x1b: {  	[sflag:s12] =	ssyncset.done $0x0  }
0x1c: {  	s31 =	sadd.s32 $0x0, s8;
	[sflag:s12] =	ssyncadd.s32 $0xFFFFFFB0  }
0x1d: {  	[tilespmem:s14], [sflag:$0x2] =	stream.linear.gather [hbm4b:s31+s3], $0x50, $0x38;
	[tilespmem:$0x19180] =	vst v63  }
0x1e: {  	_ =	swait.ge [sflag:s12], $0x50  }
0x1f: {  	[sflag:s12] =	ssyncset.done $0x0  }
0x20: {  	[sflag:s12] =	ssyncadd.s32 $0xFFFFFFB0  }
0x21: {  	[tilespmem:s16], [sflag:$0x1] =	stream.indirect.gather [hbm4b:s4+s15], $0x80, s3, s15, $0xb8;
	[tilespmem:$0x19180] =	vst v63  }
0x22: {  	_ = 	snop  }
0x23: {  	[tilespmem:s17], [sflag:$0x1] =	stream.indirect.gather [hbm4b:s4+s15], $0x80, s13, s15, $0xb8;
	[tilespmem:$0x19180] =	vst v63  }
0x24: {  	_ =	swait.ge [sflag:s18], $0x2800  }
0x25: {  	[sflag:s18] =	ssyncset.done $0x0  }
0x26: {  	[sflag:s18] =	ssyncadd.s32 $0xFFFFD800  }
0x27: {  	_ =	swait.ge [sflag:s18], $0x2800  }
0x28: {  	[sflag:s18] =	ssyncset.done $0x0  }
0x29: {  	[sflag:s18] =	ssyncadd.s32 $0xFFFFD800  }
0x2a: {  	[spmem:s2] =	stream.indirect.scatter.add.f32 [tilespmem:s16], [sflag:$0x2], $0x80, s14, s15, $0xb8;
	[tilespmem:$0x19180] =	vst v63  }
0x2b: {  	_ =	swait.ge [sflag:s12], $0x2800  }
0x2c: {  	[sflag:s12] =	ssyncset.done $0x0  }
0x2d: {  	[sflag:s12] =	ssyncadd.s32 $0xFFFFD800  }
0x2e: {  	[spmem:s2] =	stream.indirect.scatter.add.f32 [tilespmem:s17], [sflag:$0x2], $0x80, s14, s15, $0xb8;
	[tilespmem:$0x19180] =	vst v63  }
0x2f: {  	_ =	swait.ge [sflag:s12], $0x2800  }
0x30: {  	s22 =	simm.s32 $0x14;
	s21 =	simm.s32 $0xA;
	[sflag:s12] =	ssyncset.done $0x0  }
.LBB2_2:
0x31: {  	s23 =	sadd.s32 s21, s10  }
0x32: {  	[sflag:s12] =	ssyncadd.s32 $0xFFFFD800;
	s24 =	smov.u32 s22;
	s25 =	sadd.s32 $0xA, s22  }
0x33: {  	[tilespmem:s3], [sflag:$0x2] =	stream.linear.gather [hbm4b:s23+s3], $0x50, $0x38;
	[tilespmem:$0x19180] =	vst v63  }
0x34: {  	p0 =	sne.s32 s22, $0x4D8;
	_ =	swait.ge [sflag:s12], $0x50  }
0x35: {  	[sflag:s12] =	ssyncset.done $0x0  }
0x36: {  	s22 =	sadd.s32 s21, s9;
	[sflag:s12] =	ssyncadd.s32 $0xFFFFFFB0  }
0x37: {  	[tilespmem:s13], [sflag:$0x2] =	stream.linear.gather [hbm4b:s22+s3], $0x50, $0x38;
	[tilespmem:$0x19180] =	vst v63  }
0x38: {  	_ =	swait.ge [sflag:s12], $0x50  }
0x39: {  	[sflag:s12] =	ssyncset.done $0x0  }
0x3a: {  	s22 =	sadd.s32 s21, s8;
	s21 =	smov.u32 s24;
	[sflag:s12] =	ssyncadd.s32 $0xFFFFFFB0  }
0x3b: {  	[tilespmem:s14], [sflag:$0x2] =	stream.linear.gather [hbm4b:s22+s3], $0x50, $0x38;
	[tilespmem:$0x19180] =	vst v63  }
0x3c: {  	_ =	swait.ge [sflag:s12], $0x50  }
0x3d: {  	[sflag:s12] =	ssyncset.done $0x0  }
0x3e: {  	[sflag:s12] =	ssyncadd.s32 $0xFFFFFFB0  }
0x3f: {  	[tilespmem:s16], [sflag:$0x1] =	stream.indirect.gather [hbm4b:s4+s15], $0x80, s3, s15, $0xb8;
	[tilespmem:$0x19180] =	vst v63  }
0x40: {  	_ = 	snop  }
0x41: {  	[tilespmem:s17], [sflag:$0x1] =	stream.indirect.gather [hbm4b:s4+s15], $0x80, s13, s15, $0xb8;
	[tilespmem:$0x19180] =	vst v63  }
0x42: {  	_ =	swait.ge [sflag:s18], $0x2800  }
0x43: {  	[sflag:s18] =	ssyncset.done $0x0  }
0x44: {  	[sflag:s18] =	ssyncadd.s32 $0xFFFFD800  }
0x45: {  	_ =	swait.ge [sflag:s18], $0x2800  }
0x46: {  	[sflag:s18] =	ssyncset.done $0x0  }
0x47: {  	[sflag:s18] =	ssyncadd.s32 $0xFFFFD800  }
0x48: {  	[spmem:s2] =	stream.indirect.scatter.add.f32 [tilespmem:s16], [sflag:$0x2], $0x80, s14, s15, $0xb8;
	[tilespmem:$0x19180] =	vst v63  }
0x49: {  	_ =	swait.ge [sflag:s12], $0x2800  }
.Ltmp0:
0x4a: {  	[sflag:s12] =	ssyncset.done $0x0;
	(pc) =	sbr.rel @p0 .LBB2_2-.Ltmp0, $4  }
0x4b: {  	[sflag:s12] =	ssyncadd.s32 $0xFFFFD800  }
0x4c: {  	[spmem:s2] =	stream.indirect.scatter.add.f32 [tilespmem:s17], [sflag:$0x2], $0x80, s14, s15, $0xb8;
	[tilespmem:$0x19180] =	vst v63  }
0x4d: {  	_ =	swait.ge [sflag:s12], $0x2800  }
0x4e: {  	s22 =	smov.u32 s25;
	[sflag:s12] =	ssyncset.done $0x0  }
0x4f: {  	s22 =	sadd.s32 s21, s10;
	[sflag:s12] =	ssyncadd.s32 $0xFFFFD800  }
0x50: {  	[tilespmem:s3], [sflag:$0x2] =	stream.linear.gather [hbm4b:s22+s3], $0x50, $0x38;
	[tilespmem:$0x19180] =	vst v63  }
0x51: {  	_ =	swait.ge [sflag:s12], $0x50  }
0x52: {  	[sflag:s12] =	ssyncset.done $0x0  }
0x53: {  	s30 =	sadd.s32 s21, s9;
	[sflag:s12] =	ssyncadd.s32 $0xFFFFFFB0  }
0x54: {  	[tilespmem:s13], [sflag:$0x2] =	stream.linear.gather [hbm4b:s30+s3], $0x50, $0x38;
	[tilespmem:$0x19180] =	vst v63  }
0x55: {  	_ =	swait.ge [sflag:s12], $0x50  }
0x56: {  	[sflag:s12] =	ssyncset.done $0x0  }
0x57: {  	s31 =	sadd.s32 s21, s8;
	[sflag:s12] =	ssyncadd.s32 $0xFFFFFFB0  }
0x58: {  	[tilespmem:s14], [sflag:$0x2] =	stream.linear.gather [hbm4b:s31+s3], $0x50, $0x38;
	[tilespmem:$0x19180] =	vst v63  }
0x59: {  	_ =	swait.ge [sflag:s12], $0x50  }
0x5a: {  	[sflag:s12] =	ssyncset.done $0x0  }
0x5b: {  	[sflag:s12] =	ssyncadd.s32 $0xFFFFFFB0  }
0x5c: {  	[tilespmem:s16], [sflag:$0x1] =	stream.indirect.gather [hbm4b:s4+s15], $0x80, s3, s15, $0xb8;
	[tilespmem:$0x19180] =	vst v63  }
0x5d: {  	_ = 	snop  }
0x5e: {  	[tilespmem:s17], [sflag:$0x1] =	stream.indirect.gather [hbm4b:s4+s15], $0x80, s13, s15, $0xb8;
	[tilespmem:$0x19180] =	vst v63  }
0x5f: {  	_ =	swait.ge [sflag:s18], $0x2800  }
0x60: {  	[sflag:s18] =	ssyncset.done $0x0  }
0x61: {  	[sflag:s18] =	ssyncadd.s32 $0xFFFFD800  }
0x62: {  	_ =	swait.ge [sflag:s18], $0x2800  }
0x63: {  	[sflag:s18] =	ssyncset.done $0x0  }
0x64: {  	[sflag:s18] =	ssyncadd.s32 $0xFFFFD800  }
0x65: {  	[spmem:s2] =	stream.indirect.scatter.add.f32 [tilespmem:s16], [sflag:$0x2], $0x80, s14, s15, $0xb8;
	[tilespmem:$0x19180] =	vst v63  }
0x66: {  	_ =	swait.ge [sflag:s12], $0x2800  }
0x67: {  	[sflag:s12] =	ssyncset.done $0x0  }
0x68: {  	[sflag:s12] =	ssyncadd.s32 $0xFFFFD800  }
0x69: {  	[spmem:s2] =	stream.indirect.scatter.add.f32 [tilespmem:s17], [sflag:$0x2], $0x80, s14, s15, $0xb8;
	[tilespmem:$0x19180] =	vst v63  }
0x6a: {  	_ =	swait.ge [sflag:s12], $0x2800  }
0x6b: {  	s20 =	sadd.s32 $0x1, s20;
	[sflag:s12] =	ssyncset.done $0x0  }
0x6c: {  	p0 =	sne.s32 s20, s7;
	[sflag:s12] =	ssyncadd.s32 $0xFFFFD800  }
.Ltmp1:
0x6d: {  	[bflag:$0x0] =	sbarrier.arrive $0xFFFF;
	(pc) =	sbr.rel @p0 .LBB2_1-.Ltmp1, $4  }
0x6e: {  	[hbm:s19], [sflag:s6] =	dma.local [spmem:s11], $0x2800  }
0x6f: {  	_ =	swait.ge [sflag:s12], $0x2800  }
0x70: {  	[sflag:s12] =	ssyncset.done $0x0  }
0x71: {  	[sflag:s12] =	ssyncadd.s32 $0xFFFFD800  }
0x72: {  	_ =	sfence.sel $0x180000  }
0x73: {  	[bflag:$0x0] =	sbarrier.arrive $0xFFFF  }
0x74: {  	p0 =	sne.s32 s0, $0x0;
	_ =	strace $0x9000004A  }
0x75: {  	s0 =	sadd.s32 @!p0 $0x100000, s1;
	[bflag:$0x2] =	sbarrier.arrive $0xFFFF  }
0x76: {  	[sflag:s0] =	ssyncadd.tile.s32 @!p0 $0x1;
	_ =	shalt  }
.Lfunc_end2:
_tile_overlayer_lowered:
.L_overlay_start_2:
0x77: {  	(tag) =	ssettag $0x2  }
0x78: {  	s0 =	rddreg [dreg:$0x0];
	s2 =	stileid.u32  }
0x79: {  	s1 =	rddreg [dreg:$0x1];
	p0 =	sne.s32 s2, $0x0  }
0x7a: {  	s3 =	rddreg [dreg:$0x2];
	[bflag:$0x3] =	sbarrier.arrive $0xFFFF;
	s2 =	simm.s32 @!p0 $0x1C02  }
0x7b: {  	[timem:s3], [sflag:s2] =	dma.local @!p0 [hbm:s0], s1  }
0x7c: {  	s0 =	simm.s32 @!p0 $0x2  }
0x7d: {  	_ =	swait.ge @!p0 [sflag:s0], s1  }
0x7e: {  	s1 =	ssub.s32 @!p0 $0x0, s1;
	[sflag:s0] =	ssyncset.done @!p0 $0x0  }
0x7f: {  	[sflag:s0] =	ssyncadd.s32 @!p0 s1  }
0x80: {  	[bflag:$0x3] =	sbarrier.arrive $0xFFFF  }
0x81: {  	_ =	shalt  }

// kernel: kernel.15.cloned.1.call-start
scs
__scs_entry_jumppad:
0x0: {  	(pc) =	sbr.rel $0x88, $3  }
0x1: {  	(tag) =	ssettag $0x0;
	lr =	simm.s32 $0x1  }
0x2: {  	[smem:$0x3F94] =	sst lr;
	_ =	strace $0xD0000000  }
0x3: {  	_ = 	snop  }
0x4: {  	_ = 	snop  }
0x5: {  	_ = 	snop  }
0x6: {  	_ = 	snop  }
0x7: {  	_ = 	snop  }
__scs_overlays_trampoline_lowered:
0x8: {  	[smem:$0x3FA3] =	sst s0  }
0x9: {  	[smem:$0x3FA4] =	sst s1  }
0xa: {  	[smem:$0x3FA5] =	sst s2  }
0xb: {  	[smem:$0x3FA6] =	sst s3  }
0xc: {  	[smem:$0x3FA7] =	sst s4  }
0xd: {  	[smem:$0x3FA8] =	sst s5  }
0xe: {  	[smem:$0x3FA9] =	sst s6  }
0xf: {  	[smem:$0x3FAA] =	sst s7  }
0x10: {  	[smem:$0x3FAB] =	sst s8  }
0x11: {  	[smem:$0x3FAC] =	sst s9;
	s0 =	simm.s32 @!p0 $0x0  }
0x12: {  	s1 =	sld [smem:$0x3F92];
	s0 =	simm.s32 @p0 $0x1  }
0x13: {  	[smem:$0x3FAD] =	sst s0;
	s0 =	simm.s32 @!p1 $0x0  }
0x14: {  	s2 =	sld [smem:$0x3F91];
	s0 =	simm.s32 @p1 $0x1  }
0x15: {  	[smem:$0x3FAE] =	sst s0;
	s0 =	simm.s32 @!p2 $0x0  }
0x16: {  	s3 =	sld [smem:$0x3FDB];
	s0 =	simm.s32 @p2 $0x1  }
0x17: {  	s4 =	simm.s32 $0x1BF5;
	[smem:$0x3FB0] =	sst s0  }
0x18: {  	s0 =	sld [smem:$0x3F93];
	_ =	swait.ge [sflag:s4], $0x0  }
0x19: {  	s7 =	sld [smem:$0x3F94]  }
0x1a: {  	s8 =	sadd.s32 $0xFFFFE003, lr  }
0x1b: {  	s9 =	sadd.s32 $0xFFFFFEF7, lr;
	s5 =	simm.s32 $0xFFFFFFFF;
	p2 =	slt.u32 s8, $0xFFFFF086  }
0x1c: {  	p1 =	slt.u32 s9, $0xF7A;
	s5 =	simm.s32 @!p2 $0x0  }
0x1d: {  	s5 =	simm.s32 @p1 $0x1;
	p0 =	seq.s32 s7, s2  }
0x1e: {  	s7 =	smul.u32 @!p0 $0xF7A, s2;
	p2 =	seq.s32 @!p0 s5, $0x0  }
0x1f: {  	s9 =	smul.u32 $0xF7A, s1;
	s8 =	simm.s32 @!p0 $0x1BF5;
	p2 =	por !p2, p0  }
0x20: {  	[sflag:s8] =	ssyncset.s32 @!p0 $0xFFFFF086;
	s6 =	sadd.s32 @!p0 s3, s7;
	s7 =	simm.s32 @!p0 $0x108  }
0x21: {  	s3 =	sadd.s32 s3, s9;
	s6 =	sadd.s32 @!p0 $0x88, s6;
	s7 =	simm.s32 @p2 $0x1082  }
0x22: {  	[simem:s7], [sflag:s8] =	dma.local @!p0 [hbm:s6], $0xF7A  }
0x23: {  	s9 =	sor.u32 $0xD0000000, s2;
	s6 =	simm.s32 $0x108;
	_ =	swait.ge @!p0 [sflag:s8], $0x0  }
0x24: {  	s3 =	sadd.s32 $0x88, s3;
	s6 =	simm.s32 @!p1 $0x1082;
	[sflag:s4] =	ssyncset.s32 $0xFFFFF086  }
0x25: {  	[simem:s6], [sflag:s4] =	dma.local [hbm:s3], $0xF7A  }
0x26: {  	[smem:$0x3F94] =	sst s1;
	(tag) =	ssettag s2;
	_ =	strace s9  }
0x27: {  	s1 =	sld [smem:$0x3FA4]  }
0x28: {  	s2 =	sld [smem:$0x3FA5]  }
0x29: {  	s4 =	sld [smem:$0x3FA7]  }
0x2a: {  	p0 =	seq.s32 s5, $0x0;
	s5 =	sld [smem:$0x3FA8]  }
0x2b: {  	s6 =	sld [smem:$0x3FA9]  }
0x2c: {  	s7 =	sld [smem:$0x3FAA]  }
0x2d: {  	s3 =	simm.s32 $0x108;
	s8 =	sld [smem:$0x3FAB]  }
0x2e: {  	s3 =	simm.s32 @!p0 $0x1082;
	s9 =	sld [smem:$0x3FAC]  }
0x2f: {  	lr =	sadd.s32 s0, s3;
	s0 =	sld [smem:$0x3FA3]  }
0x30: {  	s3 =	sld [smem:$0x3FA6]  }
0x31: {  	[smem:$0x3FAF] =	sst s10  }
0x32: {  	s10 =	sld [smem:$0x3FAD];
	_ =	sdelay $0x3  }
0x33: {  	p0 =	seq.s32 s10, $0x1;
	s10 =	sld [smem:$0x3FAF];
	_ =	sdelay $0x3  }
0x34: {  	[smem:$0x3FAF] =	sst s10  }
0x35: {  	s10 =	sld [smem:$0x3FAE];
	_ =	sdelay $0x3  }
0x36: {  	p1 =	seq.s32 s10, $0x1;
	s10 =	sld [smem:$0x3FAF];
	_ =	sdelay $0x3  }
0x37: {  	[smem:$0x3FAF] =	sst s10  }
0x38: {  	s10 =	sld [smem:$0x3FB0]  }
0x39: {  	_ = 	snop;
	(pc) =	sbr.ind lr, $3  }
0x3a: {  	_ = 	snop  }
0x3b: {  	_ = 	snop  }
0x3c: {  	p2 =	seq.s32 s10, $0x1;
	s10 =	sld [smem:$0x3FAF]  }
0x3d: {  	_ =	shalt  }
0x3e: {  	_ =	shalt  }
0x3f: {  	_ =	shalt  }
0x40: {  	_ =	shalt  }
0x41: {  	_ =	shalt  }
0x42: {  	_ =	shalt  }
0x43: {  	_ =	shalt  }
0x44: {  	_ =	shalt  }
0x45: {  	_ =	shalt  }
0x46: {  	_ =	shalt  }
0x47: {  	_ =	shalt  }
0x48: {  	_ =	shalt  }
0x49: {  	_ =	shalt  }
0x4a: {  	_ =	shalt  }
0x4b: {  	_ =	shalt  }
0x4c: {  	_ =	shalt  }
0x4d: {  	_ =	shalt  }
0x4e: {  	_ =	shalt  }
0x4f: {  	_ =	shalt  }
0x50: {  	_ =	shalt  }
0x51: {  	_ =	shalt  }
0x52: {  	_ =	shalt  }
0x53: {  	_ =	shalt  }
0x54: {  	_ =	shalt  }
0x55: {  	_ =	shalt  }
0x56: {  	_ =	shalt  }
0x57: {  	_ =	shalt  }
0x58: {  	_ =	shalt  }
0x59: {  	_ =	shalt  }
0x5a: {  	_ =	shalt  }
0x5b: {  	_ =	shalt  }
0x5c: {  	_ =	shalt  }
0x5d: {  	_ =	shalt  }
0x5e: {  	_ =	shalt  }
0x5f: {  	_ =	shalt  }
0x60: {  	_ =	shalt  }
0x61: {  	_ =	shalt  }
0x62: {  	_ =	shalt  }
0x63: {  	_ =	shalt  }
0x64: {  	_ =	shalt  }
0x65: {  	_ =	shalt  }
0x66: {  	_ =	shalt  }
0x67: {  	_ =	shalt  }
0x68: {  	_ =	shalt  }
0x69: {  	_ =	shalt  }
0x6a: {  	_ =	shalt  }
0x6b: {  	_ =	shalt  }
0x6c: {  	_ =	shalt  }
0x6d: {  	_ =	shalt  }
0x6e: {  	_ =	shalt  }
0x6f: {  	_ =	shalt  }
0x70: {  	_ =	shalt  }
0x71: {  	_ =	shalt  }
0x72: {  	_ =	shalt  }
0x73: {  	_ =	shalt  }
0x74: {  	_ =	shalt  }
0x75: {  	_ =	shalt  }
0x76: {  	_ =	shalt  }
0x77: {  	_ =	shalt  }
0x78: {  	_ =	shalt  }
0x79: {  	_ =	shalt  }
0x7a: {  	_ =	shalt  }
0x7b: {  	_ =	shalt  }
0x7c: {  	_ =	shalt  }
0x7d: {  	_ =	shalt  }
0x7e: {  	_ =	shalt  }
0x7f: {  	_ =	shalt  }
0x80: {  	_ =	shalt  }
0x81: {  	_ =	shalt  }
0x82: {  	_ =	shalt  }
0x83: {  	_ =	shalt  }
0x84: {  	_ =	shalt  }
0x85: {  	_ =	shalt  }
0x86: {  	_ =	shalt  }
0x87: {  	_ =	shalt  }
.Lfunc_end0:
.L_simem_size_0:
called_computation.2_lowered:
.L_overlay_start_0:
0x88: {  	s2 =	sld [smem:$0x3FD9]  }
0x89: {  	s3 =	sld [smem:$0x3FFE];
	_ =	sdelay $0x1  }
0x8a: {  	s1 =	srdreg.scid  }
0x8b: {  	s0 =	sand.u32 $0x1, s1  }
0x8c: {  	s16 =	sshll.u32 s0, $0xA;
	s2 =	sadd.s32 s3, s2  }
0x8d: {  	s2 =	sadd.s32 s2, s16  }
0x8e: {  	[smem:$0x3FBB] =	sst s2  }
0x8f: {  	_ = 	snop  }
0x90: {  	(tm) =	ssettm $0x1  }
0x91: {  	s17 =	sld [smem:$0x3FFB];
	_ =	sdelay $0x3  }
0x92: {  	_ =	strace s17  }
0x93: {  	s2 =	sld [smem:$0x3FFC];
	_ =	sdelay $0x3  }
0x94: {  	_ =	strace s2  }
0x95: {  	s2 =	sld [smem:$0x3FFD];
	_ =	sdelay $0x3  }
0x96: {  	_ =	strace s2  }
0x97: {  	_ =	strace $0x8FFFFFFF  }
0x98: {  	s18 =	sld [smem:$0x3FDB];
	_ =	sdelay $0x1  }
0x99: {  	s19 =	simm.s32 $_scs_section_size  }
0x9a: {  	s4 =	simm.s32 $_size__tile_overlayer_lowered;
	s5 =	simm.s32 $_tile_overlayer_lowered  }
0x9b: {  	s22 =	simm.s32 $0x1BFF;
	s21 =	sshll.u32 s5, $0x1;
	s2 =	sadd.s32 s19, s18  }
0x9c: {  	s6 =	simm.s32 $0x0;
	s20 =	sshll.u32 s4, $0x1;
	s4 =	sadd.s32 s21, s2  }
0x9d: {  	[timem:s6], [sflag:s22] =	dma.local [hbm:s4], s20  }
0x9e: {  	_ =	swait.ge [sflag:s22], s20  }
0x9f: {  	s3 =	ssub.s32 $0x0, s20;
	[sflag:s22] =	ssyncset.done $0x0  }
0xa0: {  	[sflag:s22] =	ssyncadd.s32 s3;
	_ =	sdelay $0x1  }
0xa1: {  	s23 =	simm.s32 $0x1B8B  }
0xa2: {  	_ =	swait.ge [sflag:s23], $0x1  }
0xa3: {  	[sflag:s23] =	ssyncset.done $0x0  }
0xa4: {  	s25 =	simm.s32 $0x1B8E;
	s24 =	sld [smem:$0x3FFE];
	[sflag:s23] =	ssyncadd.s32 $0xFFFFFFFF  }
0xa5: {  	s26 =	simm.s32 $execute0_lowered;
	[smem:$0x3FD2] =	sst s25  }
0xa6: {  	s4 =	sshll.u32 s26, $0x1;
	_ =	strace $0x8000004C;
	[dreg:$0x1] =	wrdreg $0xFFFFFFFF  }
0xa7: {  	s28 =	simm.s32 $_size_execute0_lowered;
	s2 =	sadd.s32 s2, s4;
	[dreg:$0x0] =	wrdreg $0x0  }
0xa8: {  	s4 =	sshll.u32 s28, $0x1;
	[dreg:$0x2] =	wrdreg s2  }
0xa9: {  	[dreg:$0x3] =	wrdreg s4  }
0xaa: {  	[dreg:$0x4] =	wrdreg $0xC0  }
0xab: {  	_ =	task [dreg:s6], $0x5FFFF  }
0xac: {  	[dreg:$0x1] =	wrdreg $0xFFFFFFFF  }
0xad: {  	[dreg:$0x0] =	wrdreg $0x60  }
0xae: {  	[dreg:$0x2] =	wrdreg s24  }
0xaf: {  	[dreg:$0x3] =	wrdreg $0x9  }
0xb0: {  	_ =	task.clear_ibuf [dreg:s6], $0x4FFFF;
	_ =	strace $0x9000004C  }
0xb1: {  	s29 =	simm.s32 $0x9;
	_ =	strace $0x8000004E  }
0xb2: {  	_ =	swait.ge [sflag:s29], $0x1  }
0xb3: {  	[sflag:s29] =	ssyncadd.s32 $0xFFFFFFFF  }
0xb4: {  	_ =	strace $0x9000004E  }
0xb5: {  	_ =	sfence  }
0xb6: {  	s30 =	sld [smem:$0x0];
	_ =	sdelay $0x2  }
0xb7: {  	s31 =	sshll.u32 s1, $0xD;
	s1 =	sshrl.u32 s1, $0x2  }
0xb8: {  	s3 =	sand.u32 $0x4000, s31;
	s1 =	sadd.s32 s1, s30  }
0xb9: {  	s0 =	sor.u32 s3, s0;
	s1 =	sshll.u32 s1, $0x11  }
0xba: {  	s0 =	sor.u32 s1, s0  }
0xbb: {  	s0 =	sadd.s32 $0x8F2B, s0  }
0xbc: {  	[sflag:s0] =	ssyncadd.remote.s32 $0x1  }
0xbd: {  	_ =	sfence.sel $0xFFFF  }
0xbe: {  	[dreg:$0x0] =	wrdreg $0xFFFFFFFF;
	(pc) =	sbr.abs _section_cstart, $3  }
0xbf: {  	[dreg:$0x1] =	wrdreg $0xFFFFFFFF  }
0xc0: {  	_ =	task.clear_ibuf [dreg:s6], $0x2FFFF;
	_ =	strace $0x9FFFFFFF  }
0xc1: {  	(tm) =	ssettm $0x7FFFFFFF  }
tec
execute0_lowered:
.L_overlay_start_1:
0x0: {  	(tag) =	ssettag $0x1  }
0x1: {  	s4 =	rddreg [dreg:$0x0]  }
0x2: {  	s0 =	rddreg [dreg:$0x1];
	s2 =	simm.s32 $0x0;
	s1 =	stileid.u32  }
0x3: {  	s3 =	srdreg.scid;
	s10 =	simm.s32 $0x0;
	s6 =	smul.u32 $0xC00, s1  }
0x4: {  	[smem:$0x7FF] =	sst s2;
	s5 =	sand.u32 $0x1, s3;
	s8 =	smul.u32 $0xC000, s1  }
0x5: {  	s3 =	sadd.s32 $0x2200, s4;
	s7 =	smul.u32 $0x600, s5;
	s9 =	ssub.s32 $0x2, s5  }
0x6: {  	_ =	strace $0x8000004D;
	s5 =	smul.u32 $0x6000, s5;
	s31 =	sshrl.u32 s9, $0x1  }
0x7: {  	s8 =	sadd.s32 s8, s4;
	s6 =	sadd.s32 s7, s6;
	s7 =	ssub.s32 s9, s31  }
0x8: {  	s5 =	sadd.s32 s5, s8;
	s8 =	simm.s32 $0x80;
	s6 =	sshrl.u32 s6, $0x3  }
0x9: {  	s9 =	simm.s32 $0x1;
	s5 =	sadd.s32 $0xC2600, s5;
	s6 =	sadd.s32 s6, s4  }
0xa: {  	s4 =	smax.u32 s7, $0x1;
	s7 =	simm.s32 $0x2;
	s6 =	sadd.s32 $0xC0E00, s6  }
.LBB2_1:
0xb: {  	s11 =	sadd.s32 $0x0, s6  }
0xc: {  	[tilespmem:s2], [sflag:$0x2] =	stream.linear.gather [hbm4b:s11+s2], $0x80, $0x38;
	[tilespmem:$0x4080] =	vst v63  }
0xd: {  	_ =	swait.ge [sflag:s7], $0x80  }
0xe: {  	[sflag:s7] =	ssyncset.done $0x0  }
0xf: {  	[sflag:s7] =	ssyncadd.s32 $0xFFFFFF80  }
0x10: {  	[tilespmem:s8], [sflag:$0x1] =	stream.indirect.gather [hbm4b:s3+s8], $0x80, s2, s8, $0xb8;
	[tilespmem:$0x4080] =	vst v63  }
0x11: {  	_ =	swait.ge [sflag:s9], $0x4000  }
0x12: {  	[sflag:s9] =	ssyncset.done $0x0  }
0x13: {  	[sflag:s9] =	ssyncadd.s32 $0xFFFFC000  }
0x14: {  	[hbm4b:s5+s2] =	stream.linear.scatter [tilespmem:s8], [sflag:$0x2], $0x4000, $0x38;
	[tilespmem:$0x4080] =	vst v63  }
0x15: {  	s12 =	simm.s32 $0x10;
	_ =	swait.ge [sflag:s7], $0x4000  }
0x16: {  	s13 =	simm.s32 $0x20;
	s11 =	sadd.s32 $0x800, s5;
	[sflag:s7] =	ssyncset.done $0x0  }
.LBB2_2:
0x17: {  	s14 =	sadd.s32 s12, s6  }
0x18: {  	[sflag:s7] =	ssyncadd.s32 $0xFFFFC000;
	s12 =	smov.u32 s13;
	s15 =	sadd.s32 $0x10, s13  }
0x19: {  	[tilespmem:s2], [sflag:$0x2] =	stream.linear.gather [hbm4b:s14+s2], $0x80, $0x38;
	[tilespmem:$0x4080] =	vst v63  }
0x1a: {  	p0 =	sne.s32 s13, $0xB0;
	_ =	swait.ge [sflag:s7], $0x80  }
0x1b: {  	[sflag:s7] =	ssyncset.done $0x0  }
0x1c: {  	[sflag:s7] =	ssyncadd.s32 $0xFFFFFF80  }
0x1d: {  	[tilespmem:s8], [sflag:$0x1] =	stream.indirect.gather [hbm4b:s3+s8], $0x80, s2, s8, $0xb8;
	[tilespmem:$0x4080] =	vst v63  }
0x1e: {  	_ =	swait.ge [sflag:s9], $0x4000  }
.Ltmp0:
0x1f: {  	[sflag:s9] =	ssyncset.done $0x0;
	(pc) =	sbr.rel @p0 .LBB2_2-.Ltmp0, $4  }
0x20: {  	[sflag:s9] =	ssyncadd.s32 $0xFFFFC000  }
0x21: {  	[hbm4b:s11+s2] =	stream.linear.scatter [tilespmem:s8], [sflag:$0x2], $0x4000, $0x38;
	[tilespmem:$0x4080] =	vst v63  }
0x22: {  	_ =	swait.ge [sflag:s7], $0x4000  }
0x23: {  	s13 =	smov.u32 s15;
	s11 =	sadd.s32 $0x800, s11;
	[sflag:s7] =	ssyncset.done $0x0  }
0x24: {  	s12 =	sadd.s32 s12, s6;
	[sflag:s7] =	ssyncadd.s32 $0xFFFFC000  }
0x25: {  	[tilespmem:s2], [sflag:$0x2] =	stream.linear.gather [hbm4b:s12+s2], $0x80, $0x38;
	[tilespmem:$0x4080] =	vst v63  }
0x26: {  	_ =	swait.ge [sflag:s7], $0x80  }
0x27: {  	[sflag:s7] =	ssyncset.done $0x0  }
0x28: {  	[sflag:s7] =	ssyncadd.s32 $0xFFFFFF80  }
0x29: {  	[tilespmem:s8], [sflag:$0x1] =	stream.indirect.gather [hbm4b:s3+s8], $0x80, s2, s8, $0xb8;
	[tilespmem:$0x4080] =	vst v63  }
0x2a: {  	s10 =	sadd.s32 $0x1, s10;
	_ =	swait.ge [sflag:s9], $0x4000  }
0x2b: {  	p0 =	sne.s32 s10, s4;
	[sflag:s9] =	ssyncset.done $0x0  }
.Ltmp1:
0x2c: {  	[sflag:s9] =	ssyncadd.s32 $0xFFFFC000;
	(pc) =	sbr.rel @p0 .LBB2_1-.Ltmp1, $4  }
0x2d: {  	[hbm4b:s11+s2] =	stream.linear.scatter [tilespmem:s8], [sflag:$0x2], $0x4000, $0x38;
	[tilespmem:$0x4080] =	vst v63  }
0x2e: {  	_ =	swait.ge [sflag:s7], $0x4000  }
0x2f: {  	[sflag:s7] =	ssyncset.done $0x0  }
0x30: {  	[sflag:s7] =	ssyncadd.s32 $0xFFFFC000  }
0x31: {  	_ =	sfence.sel $0x180000  }
0x32: {  	[bflag:$0x0] =	sbarrier.arrive $0xFFFF  }
0x33: {  	p0 =	sne.s32 s1, $0x0;
	_ =	strace $0x9000004D  }
0x34: {  	s0 =	sadd.s32 @!p0 $0x100000, s0;
	[bflag:$0x2] =	sbarrier.arrive $0xFFFF  }
0x35: {  	[sflag:s0] =	ssyncadd.tile.s32 @!p0 $0x1;
	_ =	shalt  }
.Lfunc_end2:
_tile_overlayer_lowered:
.L_overlay_start_2:
0x36: {  	(tag) =	ssettag $0x2  }
0x37: {  	s0 =	rddreg [dreg:$0x0];
	s2 =	stileid.u32  }
0x38: {  	s1 =	rddreg [dreg:$0x1];
	p0 =	sne.s32 s2, $0x0  }
0x39: {  	s3 =	rddreg [dreg:$0x2];
	[bflag:$0x3] =	sbarrier.arrive $0xFFFF;
	s2 =	simm.s32 @!p0 $0x1C02  }
0x3a: {  	[timem:s3], [sflag:s2] =	dma.local @!p0 [hbm:s0], s1  }
0x3b: {  	s0 =	simm.s32 @!p0 $0x2  }
0x3c: {  	_ =	swait.ge @!p0 [sflag:s0], s1  }
0x3d: {  	s1 =	ssub.s32 @!p0 $0x0, s1;
	[sflag:s0] =	ssyncset.done @!p0 $0x0  }
0x3e: {  	[sflag:s0] =	ssyncadd.s32 @!p0 s1  }
0x3f: {  	[bflag:$0x3] =	sbarrier.arrive $0xFFFF  }
0x40: {  	_ =	shalt  }

// kernel: kernel.9.cloned.1.call-start
scs
__scs_entry_jumppad:
0x0: {  	(pc) =	sbr.rel $0x88, $3  }
0x1: {  	(tag) =	ssettag $0x0;
	lr =	simm.s32 $0x1  }
0x2: {  	[smem:$0x3F94] =	sst lr;
	_ =	strace $0xD0000000  }
0x3: {  	_ = 	snop  }
0x4: {  	_ = 	snop  }
0x5: {  	_ = 	snop  }
0x6: {  	_ = 	snop  }
0x7: {  	_ = 	snop  }
__scs_overlays_trampoline_lowered:
0x8: {  	[smem:$0x3FA3] =	sst s0  }
0x9: {  	[smem:$0x3FA4] =	sst s1  }
0xa: {  	[smem:$0x3FA5] =	sst s2  }
0xb: {  	[smem:$0x3FA6] =	sst s3  }
0xc: {  	[smem:$0x3FA7] =	sst s4  }
0xd: {  	[smem:$0x3FA8] =	sst s5  }
0xe: {  	[smem:$0x3FA9] =	sst s6  }
0xf: {  	[smem:$0x3FAA] =	sst s7  }
0x10: {  	[smem:$0x3FAB] =	sst s8  }
0x11: {  	[smem:$0x3FAC] =	sst s9;
	s0 =	simm.s32 @!p0 $0x0  }
0x12: {  	s1 =	sld [smem:$0x3F92];
	s0 =	simm.s32 @p0 $0x1  }
0x13: {  	[smem:$0x3FAD] =	sst s0;
	s0 =	simm.s32 @!p1 $0x0  }
0x14: {  	s2 =	sld [smem:$0x3F91];
	s0 =	simm.s32 @p1 $0x1  }
0x15: {  	[smem:$0x3FAE] =	sst s0;
	s0 =	simm.s32 @!p2 $0x0  }
0x16: {  	s3 =	sld [smem:$0x3FDB];
	s0 =	simm.s32 @p2 $0x1  }
0x17: {  	s4 =	simm.s32 $0x1BF5;
	[smem:$0x3FB0] =	sst s0  }
0x18: {  	s0 =	sld [smem:$0x3F93];
	_ =	swait.ge [sflag:s4], $0x0  }
0x19: {  	s7 =	sld [smem:$0x3F94]  }
0x1a: {  	s8 =	sadd.s32 $0xFFFFE003, lr  }
0x1b: {  	s9 =	sadd.s32 $0xFFFFFEF7, lr;
	s5 =	simm.s32 $0xFFFFFFFF;
	p2 =	slt.u32 s8, $0xFFFFF086  }
0x1c: {  	p1 =	slt.u32 s9, $0xF7A;
	s5 =	simm.s32 @!p2 $0x0  }
0x1d: {  	s5 =	simm.s32 @p1 $0x1;
	p0 =	seq.s32 s7, s2  }
0x1e: {  	s7 =	smul.u32 @!p0 $0xF7A, s2;
	p2 =	seq.s32 @!p0 s5, $0x0  }
0x1f: {  	s9 =	smul.u32 $0xF7A, s1;
	s8 =	simm.s32 @!p0 $0x1BF5;
	p2 =	por !p2, p0  }
0x20: {  	[sflag:s8] =	ssyncset.s32 @!p0 $0xFFFFF086;
	s6 =	sadd.s32 @!p0 s3, s7;
	s7 =	simm.s32 @!p0 $0x108  }
0x21: {  	s3 =	sadd.s32 s3, s9;
	s6 =	sadd.s32 @!p0 $0x88, s6;
	s7 =	simm.s32 @p2 $0x1082  }
0x22: {  	[simem:s7], [sflag:s8] =	dma.local @!p0 [hbm:s6], $0xF7A  }
0x23: {  	s9 =	sor.u32 $0xD0000000, s2;
	s6 =	simm.s32 $0x108;
	_ =	swait.ge @!p0 [sflag:s8], $0x0  }
0x24: {  	s3 =	sadd.s32 $0x88, s3;
	s6 =	simm.s32 @!p1 $0x1082;
	[sflag:s4] =	ssyncset.s32 $0xFFFFF086  }
0x25: {  	[simem:s6], [sflag:s4] =	dma.local [hbm:s3], $0xF7A  }
0x26: {  	[smem:$0x3F94] =	sst s1;
	(tag) =	ssettag s2;
	_ =	strace s9  }
0x27: {  	s1 =	sld [smem:$0x3FA4]  }
0x28: {  	s2 =	sld [smem:$0x3FA5]  }
0x29: {  	s4 =	sld [smem:$0x3FA7]  }
0x2a: {  	p0 =	seq.s32 s5, $0x0;
	s5 =	sld [smem:$0x3FA8]  }
0x2b: {  	s6 =	sld [smem:$0x3FA9]  }
0x2c: {  	s7 =	sld [smem:$0x3FAA]  }
0x2d: {  	s3 =	simm.s32 $0x108;
	s8 =	sld [smem:$0x3FAB]  }
0x2e: {  	s3 =	simm.s32 @!p0 $0x1082;
	s9 =	sld [smem:$0x3FAC]  }
0x2f: {  	lr =	sadd.s32 s0, s3;
	s0 =	sld [smem:$0x3FA3]  }
0x30: {  	s3 =	sld [smem:$0x3FA6]  }
0x31: {  	[smem:$0x3FAF] =	sst s10  }
0x32: {  	s10 =	sld [smem:$0x3FAD];
	_ =	sdelay $0x3  }
0x33: {  	p0 =	seq.s32 s10, $0x1;
	s10 =	sld [smem:$0x3FAF];
	_ =	sdelay $0x3  }
0x34: {  	[smem:$0x3FAF] =	sst s10  }
0x35: {  	s10 =	sld [smem:$0x3FAE];
	_ =	sdelay $0x3  }
0x36: {  	p1 =	seq.s32 s10, $0x1;
	s10 =	sld [smem:$0x3FAF];
	_ =	sdelay $0x3  }
0x37: {  	[smem:$0x3FAF] =	sst s10  }
0x38: {  	s10 =	sld [smem:$0x3FB0]  }
0x39: {  	_ = 	snop;
	(pc) =	sbr.ind lr, $3  }
0x3a: {  	_ = 	snop  }
0x3b: {  	_ = 	snop  }
0x3c: {  	p2 =	seq.s32 s10, $0x1;
	s10 =	sld [smem:$0x3FAF]  }
0x3d: {  	_ =	shalt  }
0x3e: {  	_ =	shalt  }
0x3f: {  	_ =	shalt  }
0x40: {  	_ =	shalt  }
0x41: {  	_ =	shalt  }
0x42: {  	_ =	shalt  }
0x43: {  	_ =	shalt  }
0x44: {  	_ =	shalt  }
0x45: {  	_ =	shalt  }
0x46: {  	_ =	shalt  }
0x47: {  	_ =	shalt  }
0x48: {  	_ =	shalt  }
0x49: {  	_ =	shalt  }
0x4a: {  	_ =	shalt  }
0x4b: {  	_ =	shalt  }
0x4c: {  	_ =	shalt  }
0x4d: {  	_ =	shalt  }
0x4e: {  	_ =	shalt  }
0x4f: {  	_ =	shalt  }
0x50: {  	_ =	shalt  }
0x51: {  	_ =	shalt  }
0x52: {  	_ =	shalt  }
0x53: {  	_ =	shalt  }
0x54: {  	_ =	shalt  }
0x55: {  	_ =	shalt  }
0x56: {  	_ =	shalt  }
0x57: {  	_ =	shalt  }
0x58: {  	_ =	shalt  }
0x59: {  	_ =	shalt  }
0x5a: {  	_ =	shalt  }
0x5b: {  	_ =	shalt  }
0x5c: {  	_ =	shalt  }
0x5d: {  	_ =	shalt  }
0x5e: {  	_ =	shalt  }
0x5f: {  	_ =	shalt  }
0x60: {  	_ =	shalt  }
0x61: {  	_ =	shalt  }
0x62: {  	_ =	shalt  }
0x63: {  	_ =	shalt  }
0x64: {  	_ =	shalt  }
0x65: {  	_ =	shalt  }
0x66: {  	_ =	shalt  }
0x67: {  	_ =	shalt  }
0x68: {  	_ =	shalt  }
0x69: {  	_ =	shalt  }
0x6a: {  	_ =	shalt  }
0x6b: {  	_ =	shalt  }
0x6c: {  	_ =	shalt  }
0x6d: {  	_ =	shalt  }
0x6e: {  	_ =	shalt  }
0x6f: {  	_ =	shalt  }
0x70: {  	_ =	shalt  }
0x71: {  	_ =	shalt  }
0x72: {  	_ =	shalt  }
0x73: {  	_ =	shalt  }
0x74: {  	_ =	shalt  }
0x75: {  	_ =	shalt  }
0x76: {  	_ =	shalt  }
0x77: {  	_ =	shalt  }
0x78: {  	_ =	shalt  }
0x79: {  	_ =	shalt  }
0x7a: {  	_ =	shalt  }
0x7b: {  	_ =	shalt  }
0x7c: {  	_ =	shalt  }
0x7d: {  	_ =	shalt  }
0x7e: {  	_ =	shalt  }
0x7f: {  	_ =	shalt  }
0x80: {  	_ =	shalt  }
0x81: {  	_ =	shalt  }
0x82: {  	_ =	shalt  }
0x83: {  	_ =	shalt  }
0x84: {  	_ =	shalt  }
0x85: {  	_ =	shalt  }
0x86: {  	_ =	shalt  }
0x87: {  	_ =	shalt  }
.Lfunc_end0:
.L_simem_size_0:
called_computation_lowered:
.L_overlay_start_0:
0x88: {  	s2 =	sld [smem:$0x3FD9]  }
0x89: {  	s3 =	sld [smem:$0x3FFE];
	_ =	sdelay $0x1  }
0x8a: {  	s1 =	srdreg.scid  }
0x8b: {  	s0 =	sand.u32 $0x1, s1  }
0x8c: {  	s16 =	sshll.u32 s0, $0xA;
	s2 =	sadd.s32 s3, s2  }
0x8d: {  	s2 =	sadd.s32 s2, s16  }
0x8e: {  	[smem:$0x3FBB] =	sst s2  }
0x8f: {  	_ = 	snop  }
0x90: {  	(tm) =	ssettm $0x1  }
0x91: {  	s17 =	sld [smem:$0x3FFB];
	_ =	sdelay $0x3  }
0x92: {  	_ =	strace s17  }
0x93: {  	s2 =	sld [smem:$0x3FFC];
	_ =	sdelay $0x3  }
0x94: {  	_ =	strace s2  }
0x95: {  	s2 =	sld [smem:$0x3FFD];
	_ =	sdelay $0x3  }
0x96: {  	_ =	strace s2  }
0x97: {  	_ =	strace $0x8FFFFFFF  }
0x98: {  	s18 =	sld [smem:$0x3FDB];
	_ =	sdelay $0x1  }
0x99: {  	s19 =	simm.s32 $_scs_section_size  }
0x9a: {  	s4 =	simm.s32 $_size__tile_overlayer_lowered;
	s5 =	simm.s32 $_tile_overlayer_lowered  }
0x9b: {  	s22 =	simm.s32 $0x1BFF;
	s21 =	sshll.u32 s5, $0x1;
	s2 =	sadd.s32 s19, s18  }
0x9c: {  	s6 =	simm.s32 $0x0;
	s20 =	sshll.u32 s4, $0x1;
	s4 =	sadd.s32 s21, s2  }
0x9d: {  	[timem:s6], [sflag:s22] =	dma.local [hbm:s4], s20  }
0x9e: {  	_ =	swait.ge [sflag:s22], s20  }
0x9f: {  	s3 =	ssub.s32 $0x0, s20;
	[sflag:s22] =	ssyncset.done $0x0  }
0xa0: {  	[sflag:s22] =	ssyncadd.s32 s3;
	_ =	sdelay $0x1  }
0xa1: {  	s23 =	simm.s32 $0x1B8B  }
0xa2: {  	_ =	swait.ge [sflag:s23], $0x1  }
0xa3: {  	[sflag:s23] =	ssyncset.done $0x0  }
0xa4: {  	s25 =	simm.s32 $0x1B8E;
	s24 =	sld [smem:$0x3FFE];
	[sflag:s23] =	ssyncadd.s32 $0xFFFFFFFF  }
0xa5: {  	s26 =	simm.s32 $execute0_lowered;
	[smem:$0x3FD2] =	sst s25  }
0xa6: {  	s4 =	sshll.u32 s26, $0x1;
	_ =	strace $0x80000046;
	[dreg:$0x1] =	wrdreg $0xFFFFFFFF  }
0xa7: {  	s28 =	simm.s32 $_size_execute0_lowered;
	s2 =	sadd.s32 s2, s4;
	[dreg:$0x0] =	wrdreg $0x0  }
0xa8: {  	s4 =	sshll.u32 s28, $0x1;
	[dreg:$0x2] =	wrdreg s2  }
0xa9: {  	[dreg:$0x3] =	wrdreg s4  }
0xaa: {  	[dreg:$0x4] =	wrdreg $0xC0  }
0xab: {  	_ =	task [dreg:s6], $0x5FFFF  }
0xac: {  	[dreg:$0x1] =	wrdreg $0xFFFFFFFF  }
0xad: {  	[dreg:$0x0] =	wrdreg $0x60  }
0xae: {  	[dreg:$0x2] =	wrdreg s24  }
0xaf: {  	[dreg:$0x3] =	wrdreg $0x51800  }
0xb0: {  	[dreg:$0x4] =	wrdreg $0x9  }
0xb1: {  	_ =	task.clear_ibuf [dreg:s6], $0x5FFFF;
	_ =	strace $0x90000046  }
0xb2: {  	s29 =	simm.s32 $0x9;
	_ =	strace $0x80000048  }
0xb3: {  	_ =	swait.ge [sflag:s29], $0x1  }
0xb4: {  	[sflag:s29] =	ssyncadd.s32 $0xFFFFFFFF  }
0xb5: {  	_ =	strace $0x90000048  }
0xb6: {  	_ =	sfence  }
0xb7: {  	s30 =	sld [smem:$0x0];
	_ =	sdelay $0x2  }
0xb8: {  	s31 =	sshll.u32 s1, $0xD;
	s1 =	sshrl.u32 s1, $0x2  }
0xb9: {  	s3 =	sand.u32 $0x4000, s31;
	s1 =	sadd.s32 s1, s30  }
0xba: {  	s0 =	sor.u32 s3, s0;
	s1 =	sshll.u32 s1, $0x11  }
0xbb: {  	s0 =	sor.u32 s1, s0  }
0xbc: {  	s0 =	sadd.s32 $0x8F2B, s0  }
0xbd: {  	[sflag:s0] =	ssyncadd.remote.s32 $0x1  }
0xbe: {  	_ =	sfence.sel $0xFFFF  }
0xbf: {  	[dreg:$0x0] =	wrdreg $0xFFFFFFFF;
	(pc) =	sbr.abs _section_cstart, $3  }
0xc0: {  	[dreg:$0x1] =	wrdreg $0xFFFFFFFF  }
0xc1: {  	_ =	task.clear_ibuf [dreg:s6], $0x2FFFF;
	_ =	strace $0x9FFFFFFF  }
0xc2: {  	(tm) =	ssettm $0x7FFFFFFF  }
0xc3: {  	_ =	shalt  }
tec
execute0_lowered:
.L_overlay_start_1:
0x0: {  	(tag) =	ssettag $0x1  }
0x1: {  	s5 =	rddreg [dreg:$0x0];
	s1 =	srdreg.scid  }
0x2: {  	s0 =	stileid.u32;
	s2 =	rddreg [dreg:$0x1]  }
0x3: {  	s3 =	simm.s32 $0x0;
	s13 =	simm.s32 $0x80;
	s14 =	simm.s32 $0x100  }
0x4: {  	s15 =	simm.s32 $0x50;
	s16 =	simm.s32 $0x180;
	s4 =	smul.u32 $0x4E20, s0  }
0x5: {  	s17 =	simm.s32 $0x2980;
	s18 =	simm.s32 $0x1;
	s19 =	smul.u32 $0x2800, s0  }
0x6: {  	s6 =	sand.u32 $0x1, s1;
	s1 =	rddreg [dreg:$0x2];
	s28 =	smul.u32 $0x50000, s0  }
0x7: {  	[smem:$0x7FF] =	sst s3;
	s31 =	sshll.u32 s0, $0x6;
	s7 =	smul.u32 $0x2710, s6  }
0x8: {  	_ =	strace $0x80000047;
	s8 =	smul.u32 $0x28000, s6;
	s6 =	ssub.s32 $0x2, s6  }
0x9: {  	s9 =	sadd.s32 s19, s5;
	s29 =	sshrl.u32 s6, $0x1;
	s30 =	sshrl.u32 s28, $0x2  }
0xa: {  	s7 =	sadd.s32 s7, s4;
	s4 =	sadd.s32 $0x1FC00, s5;
	s8 =	sadd.s32 s8, s5  }
0xb: {  	s11 =	ssub.s32 s6, s29;
	s12 =	sadd.s32 s30, s2;
	s7 =	sshrl.u32 s7, $0x3  }
0xc: {  	s6 =	sor.u32 $0x1C02, s31;
	s20 =	sadd.s32 $0x70E00, s8;
	s10 =	sadd.s32 s7, s5  }
0xd: {  	s5 =	sadd.s32 $0x48E00, s9;
	s7 =	smax.u32 s11, $0x1;
	s11 =	sshrl.u32 s12, $0x3  }
0xe: {  	s12 =	simm.s32 $0x2;
	s19 =	sadd.s32 s19, s20;
	s20 =	simm.s32 $0x0  }
0xf: {  	s8 =	sadd.s32 $0xC000, s10;
	s9 =	sadd.s32 $0x2200, s10;
	s10 =	sadd.s32 $0x15E00, s10  }
.LBB2_1:
0x10: {  	[spmem:s11], [sflag:s6] =	dma.local [hbm:s5], $0x2800  }
0x11: {  	_ =	swait.ge [sflag:s12], $0x2800  }
0x12: {  	[sflag:s12] =	ssyncset.done $0x0  }
0x13: {  	[sflag:s12] =	ssyncadd.s32 $0xFFFFD800  }
0x14: {  	s21 =	sadd.s32 $0x0, s10;
	[bflag:$0x0] =	sbarrier.arrive $0xFFFF  }
0x15: {  	[tilespmem:s3], [sflag:$0x2] =	stream.linear.gather [hbm4b:s21+s3], $0x50, $0x38;
	[tilespmem:$0x19180] =	vst v63  }
0x16: {  	_ =	swait.ge [sflag:s12], $0x50  }
0x17: {  	[sflag:s12] =	ssyncset.done $0x0  }
0x18: {  	s30 =	sadd.s32 $0x0, s9;
	[sflag:s12] =	ssyncadd.s32 $0xFFFFFFB0  }
0x19: {  	[tilespmem:s13], [sflag:$0x2] =	stream.linear.gather [hbm4b:s30+s3], $0x50, $0x38;
	[tilespmem:$0x19180] =	vst v63  }
0x1a: {  	_ =	swait.ge [sflag:s12], $0x50  }
0x1b: {  	[sflag:s12] =	ssyncset.done $0x0  }
0x1c: {  	s31 =	sadd.s32 $0x0, s8;
	[sflag:s12] =	ssyncadd.s32 $0xFFFFFFB0  }
0x1d: {  	[tilespmem:s14], [sflag:$0x2] =	stream.linear.gather [hbm4b:s31+s3], $0x50, $0x38;
	[tilespmem:$0x19180] =	vst v63  }
0x1e: {  	_ =	swait.ge [sflag:s12], $0x50  }
0x1f: {  	[sflag:s12] =	ssyncset.done $0x0  }
0x20: {  	[sflag:s12] =	ssyncadd.s32 $0xFFFFFFB0  }
0x21: {  	[tilespmem:s16], [sflag:$0x1] =	stream.indirect.gather [hbm4b:s4+s15], $0x80, s3, s15, $0xb8;
	[tilespmem:$0x19180] =	vst v63  }
0x22: {  	_ = 	snop  }
0x23: {  	[tilespmem:s17], [sflag:$0x1] =	stream.indirect.gather [hbm4b:s4+s15], $0x80, s13, s15, $0xb8;
	[tilespmem:$0x19180] =	vst v63  }
0x24: {  	_ =	swait.ge [sflag:s18], $0x2800  }
0x25: {  	[sflag:s18] =	ssyncset.done $0x0  }
0x26: {  	[sflag:s18] =	ssyncadd.s32 $0xFFFFD800  }
0x27: {  	_ =	swait.ge [sflag:s18], $0x2800  }
0x28: {  	[sflag:s18] =	ssyncset.done $0x0  }
0x29: {  	[sflag:s18] =	ssyncadd.s32 $0xFFFFD800  }
0x2a: {  	[spmem:s2] =	stream.indirect.scatter.add.f32 [tilespmem:s16], [sflag:$0x2], $0x80, s14, s15, $0xb8;
	[tilespmem:$0x19180] =	vst v63  }
0x2b: {  	_ =	swait.ge [sflag:s12], $0x2800  }
0x2c: {  	[sflag:s12] =	ssyncset.done $0x0  }
0x2d: {  	[sflag:s12] =	ssyncadd.s32 $0xFFFFD800  }
0x2e: {  	[spmem:s2] =	stream.indirect.scatter.add.f32 [tilespmem:s17], [sflag:$0x2], $0x80, s14, s15, $0xb8;
	[tilespmem:$0x19180] =	vst v63  }
0x2f: {  	_ =	swait.ge [sflag:s12], $0x2800  }
0x30: {  	s22 =	simm.s32 $0x14;
	s21 =	simm.s32 $0xA;
	[sflag:s12] =	ssyncset.done $0x0  }
.LBB2_2:
0x31: {  	s23 =	sadd.s32 s21, s10  }
0x32: {  	[sflag:s12] =	ssyncadd.s32 $0xFFFFD800;
	s24 =	smov.u32 s22;
	s25 =	sadd.s32 $0xA, s22  }
0x33: {  	[tilespmem:s3], [sflag:$0x2] =	stream.linear.gather [hbm4b:s23+s3], $0x50, $0x38;
	[tilespmem:$0x19180] =	vst v63  }
0x34: {  	p0 =	sne.s32 s22, $0x4D8;
	_ =	swait.ge [sflag:s12], $0x50  }
0x35: {  	[sflag:s12] =	ssyncset.done $0x0  }
0x36: {  	s22 =	sadd.s32 s21, s9;
	[sflag:s12] =	ssyncadd.s32 $0xFFFFFFB0  }
0x37: {  	[tilespmem:s13], [sflag:$0x2] =	stream.linear.gather [hbm4b:s22+s3], $0x50, $0x38;
	[tilespmem:$0x19180] =	vst v63  }
0x38: {  	_ =	swait.ge [sflag:s12], $0x50  }
0x39: {  	[sflag:s12] =	ssyncset.done $0x0  }
0x3a: {  	s22 =	sadd.s32 s21, s8;
	s21 =	smov.u32 s24;
	[sflag:s12] =	ssyncadd.s32 $0xFFFFFFB0  }
0x3b: {  	[tilespmem:s14], [sflag:$0x2] =	stream.linear.gather [hbm4b:s22+s3], $0x50, $0x38;
	[tilespmem:$0x19180] =	vst v63  }
0x3c: {  	_ =	swait.ge [sflag:s12], $0x50  }
0x3d: {  	[sflag:s12] =	ssyncset.done $0x0  }
0x3e: {  	[sflag:s12] =	ssyncadd.s32 $0xFFFFFFB0  }
0x3f: {  	[tilespmem:s16], [sflag:$0x1] =	stream.indirect.gather [hbm4b:s4+s15], $0x80, s3, s15, $0xb8;
	[tilespmem:$0x19180] =	vst v63  }
0x40: {  	_ = 	snop  }
0x41: {  	[tilespmem:s17], [sflag:$0x1] =	stream.indirect.gather [hbm4b:s4+s15], $0x80, s13, s15, $0xb8;
	[tilespmem:$0x19180] =	vst v63  }
0x42: {  	_ =	swait.ge [sflag:s18], $0x2800  }
0x43: {  	[sflag:s18] =	ssyncset.done $0x0  }
0x44: {  	[sflag:s18] =	ssyncadd.s32 $0xFFFFD800  }
0x45: {  	_ =	swait.ge [sflag:s18], $0x2800  }
0x46: {  	[sflag:s18] =	ssyncset.done $0x0  }
0x47: {  	[sflag:s18] =	ssyncadd.s32 $0xFFFFD800  }
0x48: {  	[spmem:s2] =	stream.indirect.scatter.add.f32 [tilespmem:s16], [sflag:$0x2], $0x80, s14, s15, $0xb8;
	[tilespmem:$0x19180] =	vst v63  }
0x49: {  	_ =	swait.ge [sflag:s12], $0x2800  }
.Ltmp0:
0x4a: {  	[sflag:s12] =	ssyncset.done $0x0;
	(pc) =	sbr.rel @p0 .LBB2_2-.Ltmp0, $4  }
0x4b: {  	[sflag:s12] =	ssyncadd.s32 $0xFFFFD800  }
0x4c: {  	[spmem:s2] =	stream.indirect.scatter.add.f32 [tilespmem:s17], [sflag:$0x2], $0x80, s14, s15, $0xb8;
	[tilespmem:$0x19180] =	vst v63  }
0x4d: {  	_ =	swait.ge [sflag:s12], $0x2800  }
0x4e: {  	s22 =	smov.u32 s25;
	[sflag:s12] =	ssyncset.done $0x0  }
0x4f: {  	s22 =	sadd.s32 s21, s10;
	[sflag:s12] =	ssyncadd.s32 $0xFFFFD800  }
0x50: {  	[tilespmem:s3], [sflag:$0x2] =	stream.linear.gather [hbm4b:s22+s3], $0x50, $0x38;
	[tilespmem:$0x19180] =	vst v63  }
0x51: {  	_ =	swait.ge [sflag:s12], $0x50  }
0x52: {  	[sflag:s12] =	ssyncset.done $0x0  }
0x53: {  	s30 =	sadd.s32 s21, s9;
	[sflag:s12] =	ssyncadd.s32 $0xFFFFFFB0  }
0x54: {  	[tilespmem:s13], [sflag:$0x2] =	stream.linear.gather [hbm4b:s30+s3], $0x50, $0x38;
	[tilespmem:$0x19180] =	vst v63  }
0x55: {  	_ =	swait.ge [sflag:s12], $0x50  }
0x56: {  	[sflag:s12] =	ssyncset.done $0x0  }
0x57: {  	s31 =	sadd.s32 s21, s8;
	[sflag:s12] =	ssyncadd.s32 $0xFFFFFFB0  }
0x58: {  	[tilespmem:s14], [sflag:$0x2] =	stream.linear.gather [hbm4b:s31+s3], $0x50, $0x38;
	[tilespmem:$0x19180] =	vst v63  }
0x59: {  	_ =	swait.ge [sflag:s12], $0x50  }
0x5a: {  	[sflag:s12] =	ssyncset.done $0x0  }
0x5b: {  	[sflag:s12] =	ssyncadd.s32 $0xFFFFFFB0  }
0x5c: {  	[tilespmem:s16], [sflag:$0x1] =	stream.indirect.gather [hbm4b:s4+s15], $0x80, s3, s15, $0xb8;
	[tilespmem:$0x19180] =	vst v63  }
0x5d: {  	_ = 	snop  }
0x5e: {  	[tilespmem:s17], [sflag:$0x1] =	stream.indirect.gather [hbm4b:s4+s15], $0x80, s13, s15, $0xb8;
	[tilespmem:$0x19180] =	vst v63  }
0x5f: {  	_ =	swait.ge [sflag:s18], $0x2800  }
0x60: {  	[sflag:s18] =	ssyncset.done $0x0  }
0x61: {  	[sflag:s18] =	ssyncadd.s32 $0xFFFFD800  }
0x62: {  	_ =	swait.ge [sflag:s18], $0x2800  }
0x63: {  	[sflag:s18] =	ssyncset.done $0x0  }
0x64: {  	[sflag:s18] =	ssyncadd.s32 $0xFFFFD800  }
0x65: {  	[spmem:s2] =	stream.indirect.scatter.add.f32 [tilespmem:s16], [sflag:$0x2], $0x80, s14, s15, $0xb8;
	[tilespmem:$0x19180] =	vst v63  }
0x66: {  	_ =	swait.ge [sflag:s12], $0x2800  }
0x67: {  	[sflag:s12] =	ssyncset.done $0x0  }
0x68: {  	[sflag:s12] =	ssyncadd.s32 $0xFFFFD800  }
0x69: {  	[spmem:s2] =	stream.indirect.scatter.add.f32 [tilespmem:s17], [sflag:$0x2], $0x80, s14, s15, $0xb8;
	[tilespmem:$0x19180] =	vst v63  }
0x6a: {  	_ =	swait.ge [sflag:s12], $0x2800  }
0x6b: {  	s20 =	sadd.s32 $0x1, s20;
	[sflag:s12] =	ssyncset.done $0x0  }
0x6c: {  	p0 =	sne.s32 s20, s7;
	[sflag:s12] =	ssyncadd.s32 $0xFFFFD800  }
.Ltmp1:
0x6d: {  	[bflag:$0x0] =	sbarrier.arrive $0xFFFF;
	(pc) =	sbr.rel @p0 .LBB2_1-.Ltmp1, $4  }
0x6e: {  	[hbm:s19], [sflag:s6] =	dma.local [spmem:s11], $0x2800  }
0x6f: {  	_ =	swait.ge [sflag:s12], $0x2800  }
0x70: {  	[sflag:s12] =	ssyncset.done $0x0  }
0x71: {  	[sflag:s12] =	ssyncadd.s32 $0xFFFFD800  }
0x72: {  	_ =	sfence.sel $0x180000  }
0x73: {  	[bflag:$0x0] =	sbarrier.arrive $0xFFFF  }
0x74: {  	p0 =	sne.s32 s0, $0x0;
	_ =	strace $0x90000047  }
0x75: {  	s0 =	sadd.s32 @!p0 $0x100000, s1;
	[bflag:$0x2] =	sbarrier.arrive $0xFFFF  }
0x76: {  	[sflag:s0] =	ssyncadd.tile.s32 @!p0 $0x1;
	_ =	shalt  }
.Lfunc_end2:
_tile_overlayer_lowered:
.L_overlay_start_2:
0x77: {  	(tag) =	ssettag $0x2  }
0x78: {  	s0 =	rddreg [dreg:$0x0];
	s2 =	stileid.u32  }
0x79: {  	s1 =	rddreg [dreg:$0x1];
	p0 =	sne.s32 s2, $0x0  }
0x7a: {  	s3 =	rddreg [dreg:$0x2];
	[bflag:$0x3] =	sbarrier.arrive $0xFFFF;
	s2 =	simm.s32 @!p0 $0x1C02  }
0x7b: {  	[timem:s3], [sflag:s2] =	dma.local @!p0 [hbm:s0], s1  }
0x7c: {  	s0 =	simm.s32 @!p0 $0x2  }
0x7d: {  	_ =	swait.ge @!p0 [sflag:s0], s1  }
0x7e: {  	s1 =	ssub.s32 @!p0 $0x0, s1;
	[sflag:s0] =	ssyncset.done @!p0 $0x0  }
0x7f: {  	[sflag:s0] =	ssyncadd.s32 @!p0 s1  }
0x80: {  	[bflag:$0x3] =	sbarrier.arrive $0xFFFF  }
0x81: {  	_ =	shalt  }

</sc_bundles>
